<compile_context>
chip_gen: v7x
topology: tpu7x:2x2x1
jax: 0.10.2.dev20260603
libtpu: 0.0.44.dev20260713+nightly
codegen_flags: <defaults>
</compile_context>

<pallas_src>
import functools

import jax
import jax.numpy as jnp
from jax import lax
from jax.experimental import pallas as pl
from jax.experimental.pallas import tpu as pltpu
from jax.experimental.pallas import tpu_sc as plsc

_NC = 2
_NS = 16


def _sc_gather_t(tabT3, xTflat, B):
    F, D, V = tabT3.shape
    L = 128
    half = 64
    hb = half * L
    nb2 = B // hb
    R = F * D
    nw = _NC * _NS
    per_w = R // nw
    assert per_w * nw == R and nb2 * hb == B

    mesh = plsc.VectorSubcoreMesh(core_axis_name="c", subcore_axis_name="s")

    @functools.partial(
        pl.kernel,
        out_type=jax.ShapeDtypeStruct((R // 8, B // L, 8, L), jnp.float32),
        mesh=mesh,
        scratch_types=[
            pltpu.VMEM((V,), jnp.float32),
            pltpu.VMEM((hb,), jnp.int32),
            pltpu.VMEM((half, L), jnp.float32),
            pltpu.VMEM((half, L), jnp.float32),
            pltpu.SemaphoreType.DMA,
            pltpu.SemaphoreType.DMA,
        ],
        compiler_params=pltpu.CompilerParams(
            needs_layout_passes=False),
    )
    def gk(tab_hbm, x_hbm, out_hbm, row_v, idx_v, out_v0, out_v1, w0, w1):
        wid = lax.axis_index("s") * _NC + lax.axis_index("c")

        def row_body(k, carry):
            r = wid * per_w + k
            f = r // D
            d = lax.rem(r, D)
            rt = r // 8
            rs = lax.rem(r, 8)
            pltpu.sync_copy(tab_hbm.at[f, d, :], row_v)

            for h, (out_v, wsem) in enumerate(((out_v0, w0), (out_v1, w1))):
                pltpu.sync_copy(x_hbm.at[pl.ds(f * B + h * hb, hb)], idx_v)

                @pl.when(k > 0)
                def _():
                    pltpu.make_async_copy(
                        out_hbm.at[0, pl.ds(0, half), 0, :], out_v,
                        wsem).wait()

                def gather16(m, carry3):
                    for l in range(8):
                        vv = idx_v[pl.ds(m * L + l * 16, 16)]
                        vals = plsc.load_gather(row_v, [vv])
                        out_v[m, pl.ds(l * 16, 16)] = vals
                    return carry3

                lax.fori_loop(0, half, gather16, 0)
                pltpu.async_copy(
                    out_v, out_hbm.at[rt, pl.ds(h * half, half), rs, :], wsem)
            return carry

        lax.fori_loop(0, per_w, row_body, 0)
        for out_v, wsem in ((out_v0, w0), (out_v1, w1)):
            pltpu.make_async_copy(
                out_hbm.at[0, pl.ds(0, half), 0, :], out_v, wsem).wait()

    return gk(tabT3, xTflat)


def _tc_towers_t(emb4, smat, params, cbb):
    nrt, nct, _, L = emb4.shape
    Bn = nct * L
    grid = nct // cbb

    def body(emb_ref, smat_ref,
             cw1, cb1, cw2, cb2, cw3, cb3,
             tw1, tb1, tw2, tb2, tw3, tb3, out_ref):
        parts = []
        for j in range(cbb):
            parts.append(jnp.reshape(emb_ref[:, j, :, :], (nrt * 8, L)))
        e = jnp.concatenate(parts, axis=1) if cbb > 1 else parts[0]
        cn = (((0,), (0,)), ((), ()))
        s = lax.dot_general(smat_ref[...], e, cn,
                            preferred_element_type=jnp.float32)
        ss = jnp.sum(s * s, axis=0, keepdims=True)
        sq = jnp.sum(e * e, axis=0, keepdims=True)
        fm = 0.5 * (ss - sq)
        outs = []
        for (w1, b1, w2, b2, w3, b3) in (
                (cw1, cb1, cw2, cb2, cw3, cb3),
                (tw1, tb1, tw2, tb2, tw3, tb3)):
            h = jnp.maximum(lax.dot_general(
                w1[...], e, cn, preferred_element_type=jnp.float32)
                + b1[...], 0.0)
            h = jnp.maximum(lax.dot_general(
                w2[...], h, cn, preferred_element_type=jnp.float32)
                + b2[...], 0.0)
            deep = lax.dot_general(
                w3[...], h, cn, preferred_element_type=jnp.float32) + b3[...]
            z = deep + fm
            outs.append(1.0 / (1.0 + jnp.exp(-z)))
        cvr, ctr = outs
        res = jnp.concatenate([cvr, ctr, cvr * ctr], axis=0)
        res = jnp.clip(res, 1e-15, 1.0 - 1e-15)
        out_ref[...] = jnp.transpose(res, (1, 0))

    full = lambda shape: pl.BlockSpec(shape, lambda i: (0,) * len(shape))
    in_specs = [pl.BlockSpec((nrt, cbb, 8, L), lambda i: (0, i, 0, 0)),
                full(smat.shape)]
    in_specs += [full(p.shape) for p in params]

    return pl.pallas_call(
        body,
        grid=(grid,),
        in_specs=in_specs,
        out_specs=pl.BlockSpec((cbb * L, 3), lambda i: (i, 0)),
        out_shape=jax.ShapeDtypeStruct((Bn, 3), jnp.float32),
    )(emb4, smat, *params)


def kernel(x, tables, cvr_w1, cvr_b1, cvr_w2, cvr_b2, cvr_w3, cvr_b3,
           ctr_w1, ctr_b1, ctr_w2, ctr_b2, ctr_w3, ctr_b3):
    F, V, D = tables.shape
    B = x.shape[0]
    tabT3 = jnp.transpose(tables, (0, 2, 1))
    xTflat = jnp.transpose(x, (1, 0)).reshape(-1)
    emb4 = _sc_gather_t(tabT3, xTflat, B)

    din = F * D
    smat = (jnp.arange(din, dtype=jnp.int32)[:, None] % D
            == jnp.arange(D, dtype=jnp.int32)[None, :]).astype(jnp.float32)
    col = lambda b: b[:, None]
    params = (cvr_w1, col(cvr_b1), cvr_w2, col(cvr_b2), cvr_w3, col(cvr_b3),
              ctr_w1, col(ctr_b1), ctr_w2, col(ctr_b2), ctr_w3, col(ctr_b3))
    return _tc_towers_t(emb4, smat, params, cbb=8)

# --- scband reference (transcript-rebuilt; emitter-appended) ---
"""Pipeline reference for scband-deep-fm4-esmm-48112223650404 (READ-ONLY COPY).

The authoritative reference and input builder live on the scoring server;
editing this copy changes nothing except your own understanding.
"""

import jax, jax.numpy as jnp
import numpy as np

B = 16384
F = 26
V = 100000
D = 16
CLIP_MIN = 1e-15
CLIP_MAX = 1 - 1e-15


def _make_mlp(k, din):
    kk = jax.random.split(k, 3)
    w1 = jax.random.normal(kk[0], (din, 256), dtype=jnp.float32) * (1.0 / np.sqrt(din))
    b1 = jnp.zeros((256,), jnp.float32)
    w2 = jax.random.normal(kk[1], (256, 128), dtype=jnp.float32) * (1.0 / np.sqrt(256))
    b2 = jnp.zeros((128,), jnp.float32)
    w3 = jax.random.normal(kk[2], (128, 1), dtype=jnp.float32) * (1.0 / np.sqrt(128))
    b3 = jnp.zeros((1,), jnp.float32)
    return w1, b1, w2, b2, w3, b3


def setup_inputs(seed: int = 0) -> dict:
    key = jax.random.key(seed)
    ks = jax.random.split(key, 4)
    x = jax.random.randint(ks[0], (B, F), 0, V, dtype=jnp.int32)
    tables = jax.random.normal(ks[1], (F, V, D), dtype=jnp.float32) * 0.01
    din = F * D
    cw1, cb1, cw2, cb2, cw3, cb3 = _make_mlp(ks[2], din)
    tw1, tb1, tw2, tb2, tw3, tb3 = _make_mlp(ks[3], din)
    return {
        "x": x, "tables": tables,
        "cvr_w1": cw1, "cvr_b1": cb1, "cvr_w2": cw2, "cvr_b2": cb2, "cvr_w3": cw3, "cvr_b3": cb3,
        "ctr_w1": tw1, "ctr_b1": tb1, "ctr_w2": tw2, "ctr_b2": tb2, "ctr_w3": tw3, "ctr_b3": tb3,
    }


def _tower(emb, w1, b1, w2, b2, w3, b3):
    # DeepFM tower: deep MLP over flattened embeddings + FM pairwise interaction
    bsz = emb.shape[0]
    flat = emb.reshape(bsz, -1)
    h = jax.nn.relu(flat @ w1 + b1)
    h = jax.nn.relu(h @ w2 + b2)
    deep = h @ w3 + b3  # [B, 1]
    s = jnp.sum(emb, axis=1)  # [B, D]
    fm = 0.5 * jnp.sum(s * s - jnp.sum(emb * emb, axis=1), axis=1, keepdims=True)  # [B, 1]
    return jax.nn.sigmoid(deep + fm)


def reference(x, tables, cvr_w1, cvr_b1, cvr_w2, cvr_b2, cvr_w3, cvr_b3,
              ctr_w1, ctr_b1, ctr_w2, ctr_b2, ctr_w3, ctr_b3):
    # Embedding lookup: one table per sparse field; gather -> [B, F, D]
    emb = tables[jnp.arange(F)[None, :], x]
    cvr = _tower(emb, cvr_w1, cvr_b1, cvr_w2, cvr_b2, cvr_w3, cvr_b3)
    ctr = _tower(emb, ctr_w1, ctr_b1, ctr_w2, ctr_b2, ctr_w3, ctr_b3)
    ctcvr = cvr * ctr
    outs = [
        jnp.clip(cvr, CLIP_MIN, CLIP_MAX),
        jnp.clip(ctr, CLIP_MIN, CLIP_MAX),
        jnp.clip(ctcvr, CLIP_MIN, CLIP_MAX),
    ]
    return jnp.concatenate(outs, axis=1)

if __name__ == "__main__":
    import jax
    _d = setup_inputs()
    print(jax.jit(kernel)(*tuple(_d.values())))

</pallas_src>

<mosaic_0001>
#map = affine_map<(d0, d1) -> (0, 0, 0)>
#map1 = affine_map<(d0, d1) -> (0)>
#map2 = affine_map<(d0, d1) -> (0, 0, 0, 0)>
module attributes {stable_mosaic.version = 14 : i64} {
  func.func @gk(%arg0: i32, %arg1: i32, %arg2: memref<26x16x100000xf32, #tpu.memory_space<hbm>>, %arg3: memref<425984xi32, #tpu.memory_space<hbm>>, %arg4: memref<52x128x8x128xf32, #tpu.memory_space<hbm>>, %arg5: memref<100000xf32, #tpu.memory_space<vmem>>, %arg6: memref<8192xi32, #tpu.memory_space<vmem>>, %arg7: memref<64x128xf32, #tpu.memory_space<vmem>>, %arg8: memref<64x128xf32, #tpu.memory_space<vmem>>, %arg9: memref<!tpu.dma_semaphore, #tpu.memory_space<semaphore_mem>>, %arg10: memref<!tpu.dma_semaphore, #tpu.memory_space<semaphore_mem>>) attributes {dimension_semantics = [#tpu.dimension_semantics<core_parallel>, #tpu.dimension_semantics<subcore_parallel>], iteration_bounds = array<i64: 2, 16>, scalar_prefetch = 0 : i64, scratch_operands = 6 : i64, tpu.core_type = #tpu.core_type<sc_vector_subcore>, window_params = [{transform_indices = #map}, {transform_indices = #map1}, {transform_indices = #map2}]} {
    %mul3A = arith.constant 2 : i32
    %mul3A_0 = arith.muli %arg1, %mul3A : i32
    %add3A = arith.addi %mul3A_0, %arg0 : i32
    %scan3A = arith.constant 0 : i32
    %scan3A_1 = arith.constant 0 : i32
    %scan3A_2 = arith.constant 13 : i32
    %scan3A_3 = arith.addi %scan3A_1, %scan3A_2 : i32
    %scan3A_4 = arith.constant 1 : i32
    scf.for %scan3A_25 = %scan3A_1 to %scan3A_3 step %scan3A_4  : i32 {
      %mul3A_26 = arith.constant 13 : i32
      %mul3A_27 = arith.muli %add3A, %mul3A_26 : i32
      %add3A_28 = arith.addi %mul3A_27, %scan3A_25 : i32
      %jit3A = arith.constant 16 : i32
      %div3A = arith.divsi %add3A_28, %jit3A : i32
      %sign3A = arith.constant 0 : i32
      %sign3A_29 = arith.cmpi sgt, %add3A_28, %sign3A : i32
      %sign3A_30 = arith.extui %sign3A_29 : i1 to i32
      %sign3A_31 = arith.constant 0 : i32
      %sign3A_32 = arith.cmpi slt, %add3A_28, %sign3A_31 : i32
      %sign3A_33 = arith.extui %sign3A_32 : i1 to i32
      %sign3A_34 = arith.subi %sign3A_30, %sign3A_33 : i32
      %sign3A_35 = arith.constant 0 : i32
      %sign3A_36 = arith.cmpi sgt, %jit3A, %sign3A_35 : i32
      %sign3A_37 = arith.extui %sign3A_36 : i1 to i32
      %sign3A_38 = arith.constant 0 : i32
      %sign3A_39 = arith.cmpi slt, %jit3A, %sign3A_38 : i32
      %sign3A_40 = arith.extui %sign3A_39 : i1 to i32
      %sign3A_41 = arith.subi %sign3A_37, %sign3A_40 : i32
      %ne3A = arith.cmpi ne, %sign3A_34, %sign3A_41 : i32
      %rem3A = arith.remsi %add3A_28, %jit3A : i32
      %ne3A_42 = arith.constant 0 : i32
      %ne3A_43 = arith.cmpi ne, %rem3A, %ne3A_42 : i32
      %and3A = arith.andi %ne3A, %ne3A_43 : i1
      %sub3A = arith.constant 1 : i32
      %sub3A_44 = arith.subi %div3A, %sub3A : i32
      %select_n3A = arith.select %and3A, %sub3A_44, %div3A : i32
      %rem3A_45 = arith.constant 16 : i32
      %rem3A_46 = arith.remsi %add3A_28, %rem3A_45 : i32
      %jit3A_47 = arith.constant 8 : i32
      %div3A_48 = arith.divsi %add3A_28, %jit3A_47 : i32
      %sign3A_49 = arith.constant 0 : i32
      %sign3A_50 = arith.cmpi sgt, %add3A_28, %sign3A_49 : i32
      %sign3A_51 = arith.extui %sign3A_50 : i1 to i32
      %sign3A_52 = arith.constant 0 : i32
      %sign3A_53 = arith.cmpi slt, %add3A_28, %sign3A_52 : i32
      %sign3A_54 = arith.extui %sign3A_53 : i1 to i32
      %sign3A_55 = arith.subi %sign3A_51, %sign3A_54 : i32
      %sign3A_56 = arith.constant 0 : i32
      %sign3A_57 = arith.cmpi sgt, %jit3A_47, %sign3A_56 : i32
      %sign3A_58 = arith.extui %sign3A_57 : i1 to i32
      %sign3A_59 = arith.constant 0 : i32
      %sign3A_60 = arith.cmpi slt, %jit3A_47, %sign3A_59 : i32
      %sign3A_61 = arith.extui %sign3A_60 : i1 to i32
      %sign3A_62 = arith.subi %sign3A_58, %sign3A_61 : i32
      %ne3A_63 = arith.cmpi ne, %sign3A_55, %sign3A_62 : i32
      %rem3A_64 = arith.remsi %add3A_28, %jit3A_47 : i32
      %ne3A_65 = arith.constant 0 : i32
      %ne3A_66 = arith.cmpi ne, %rem3A_64, %ne3A_65 : i32
      %and3A_67 = arith.andi %ne3A_63, %ne3A_66 : i1
      %sub3A_68 = arith.constant 1 : i32
      %sub3A_69 = arith.subi %div3A_48, %sub3A_68 : i32
      %select_n3A_70 = arith.select %and3A_67, %sub3A_69, %div3A_48 : i32
      %rem3A_71 = arith.constant 8 : i32
      %rem3A_72 = arith.remsi %add3A_28, %rem3A_71 : i32
      "tpu.region"() ({
        %run_scoped3A = tpu.sem_alloc : memref<!tpu.dma_semaphore, #tpu.memory_space<semaphore_mem>>
        %dma_start3A_115 = arith.constant 0 : i32
        %dma_start3A_116 = tpu.memref_slice %arg2[%select_n3A, %rem3A_46, %dma_start3A_115] : memref<26x16x100000xf32, #tpu.memory_space<hbm>> -> memref<1x1x100000xf32, #tpu.memory_space<hbm>>
        %dma_start3A_117 = tpu.memref_squeeze %dma_start3A_116 : memref<1x1x100000xf32, #tpu.memory_space<hbm>> -> memref<100000xf32, #tpu.memory_space<hbm>>
        %dma_start3A_118 = arith.constant 0 : i32
        %dma_start3A_119 = tpu.memref_slice %arg2[%select_n3A, %rem3A_46, %dma_start3A_118] : memref<26x16x100000xf32, #tpu.memory_space<hbm>> -> memref<1x1x100000xf32, #tpu.memory_space<hbm>>
        %dma_start3A_120 = tpu.memref_squeeze %dma_start3A_119 : memref<1x1x100000xf32, #tpu.memory_space<hbm>> -> memref<100000xf32, #tpu.memory_space<hbm>>
        tpu.enqueue_dma source(%dma_start3A_120 : memref<100000xf32, #tpu.memory_space<hbm>>) target(%arg5 : memref<100000xf32, #tpu.memory_space<vmem>>) target_semaphore(%run_scoped3A : memref<!tpu.dma_semaphore, #tpu.memory_space<semaphore_mem>>)
        %dma_wait3A_121 = arith.constant 0 : i32
        %dma_wait3A_122 = tpu.memref_slice %arg2[%select_n3A, %rem3A_46, %dma_wait3A_121] : memref<26x16x100000xf32, #tpu.memory_space<hbm>> -> memref<1x1x100000xf32, #tpu.memory_space<hbm>>
        %dma_wait3A_123 = tpu.memref_squeeze %dma_wait3A_122 : memref<1x1x100000xf32, #tpu.memory_space<hbm>> -> memref<100000xf32, #tpu.memory_space<hbm>>
        %dma_wait3A_124 = arith.constant 0 : i32
        %dma_wait3A_125 = tpu.memref_slice %arg2[%select_n3A, %rem3A_46, %dma_wait3A_124] : memref<26x16x100000xf32, #tpu.memory_space<hbm>> -> memref<1x1x100000xf32, #tpu.memory_space<hbm>>
        %dma_wait3A_126 = tpu.memref_squeeze %dma_wait3A_125 : memref<1x1x100000xf32, #tpu.memory_space<hbm>> -> memref<100000xf32, #tpu.memory_space<hbm>>
        tpu.wait_dma2 semaphore(%run_scoped3A : memref<!tpu.dma_semaphore, #tpu.memory_space<semaphore_mem>>) src(%dma_wait3A_126 : memref<100000xf32, #tpu.memory_space<hbm>>) dst(%arg5 : memref<100000xf32, #tpu.memory_space<vmem>>)
        tpu.yield
      }) : () -> ()
      %mul3A_73 = arith.constant 16384 : i32
      %mul3A_74 = arith.muli %select_n3A, %mul3A_73 : i32
      %add3A_75 = arith.constant 0 : i32
      %add3A_76 = arith.addi %mul3A_74, %add3A_75 : i32
      "tpu.region"() ({
        %run_scoped3A = tpu.sem_alloc : memref<!tpu.dma_semaphore, #tpu.memory_space<semaphore_mem>>
        %dma_start3A_115 = tpu.memref_slice %arg3[%add3A_76] : memref<425984xi32, #tpu.memory_space<hbm>> -> memref<8192xi32, #tpu.memory_space<hbm>>
        %dma_start3A_116 = tpu.memref_slice %arg3[%add3A_76] : memref<425984xi32, #tpu.memory_space<hbm>> -> memref<8192xi32, #tpu.memory_space<hbm>>
        tpu.enqueue_dma source(%dma_start3A_116 : memref<8192xi32, #tpu.memory_space<hbm>>) target(%arg6 : memref<8192xi32, #tpu.memory_space<vmem>>) target_semaphore(%run_scoped3A : memref<!tpu.dma_semaphore, #tpu.memory_space<semaphore_mem>>)
        %dma_wait3A_117 = tpu.memref_slice %arg3[%add3A_76] : memref<425984xi32, #tpu.memory_space<hbm>> -> memref<8192xi32, #tpu.memory_space<hbm>>
        %dma_wait3A_118 = tpu.memref_slice %arg3[%add3A_76] : memref<425984xi32, #tpu.memory_space<hbm>> -> memref<8192xi32, #tpu.memory_space<hbm>>
        tpu.wait_dma2 semaphore(%run_scoped3A : memref<!tpu.dma_semaphore, #tpu.memory_space<semaphore_mem>>) src(%dma_wait3A_118 : memref<8192xi32, #tpu.memory_space<hbm>>) dst(%arg6 : memref<8192xi32, #tpu.memory_space<vmem>>)
        tpu.yield
      }) : () -> ()
      %gt3A = arith.constant 0 : i32
      %gt3A_77 = arith.cmpi sgt, %scan3A_25, %gt3A : i32
      %convert_element_type3A = arith.extui %gt3A_77 : i1 to i32
      %cond3A = arith.constant 0 : i32
      %cond3A_78 = arith.cmpi ne, %convert_element_type3A, %cond3A : i32
      scf.if %cond3A_78 {
        %dma_wait3A_115 = arith.constant 0 : i32
        %dma_wait3A_116 = arith.constant 0 : i32
        %dma_wait3A_117 = arith.constant 0 : i32
        %dma_wait3A_118 = arith.constant 0 : i32
        %dma_wait3A_119 = tpu.memref_slice %arg4[%dma_wait3A_115, %dma_wait3A_117, %dma_wait3A_116, %dma_wait3A_118] : memref<52x128x8x128xf32, #tpu.memory_space<hbm>> -> memref<1x64x1x128xf32, #tpu.memory_space<hbm>>
        %dma_wait3A_120 = tpu.memref_squeeze %dma_wait3A_119 : memref<1x64x1x128xf32, #tpu.memory_space<hbm>> -> memref<64x128xf32, #tpu.memory_space<hbm>>
        %dma_wait3A_121 = arith.constant 0 : i32
        %dma_wait3A_122 = arith.constant 0 : i32
        %dma_wait3A_123 = tpu.memref_slice %arg4[%dma_wait3A_115, %dma_wait3A_121, %dma_wait3A_116, %dma_wait3A_122] : memref<52x128x8x128xf32, #tpu.memory_space<hbm>> -> memref<1x64x1x128xf32, #tpu.memory_space<hbm>>
        %dma_wait3A_124 = tpu.memref_squeeze %dma_wait3A_123 : memref<1x64x1x128xf32, #tpu.memory_space<hbm>> -> memref<64x128xf32, #tpu.memory_space<hbm>>
        tpu.wait_dma2 semaphore(%arg9 : memref<!tpu.dma_semaphore, #tpu.memory_space<semaphore_mem>>) src(%dma_wait3A_124 : memref<64x128xf32, #tpu.memory_space<hbm>>) dst(%arg7 : memref<64x128xf32, #tpu.memory_space<vmem>>)
      } else {
      }
      %scan3A_79 = arith.constant 0 : i32
      %scan3A_80 = arith.constant 0 : i32
      %scan3A_81 = arith.constant 64 : i32
      %scan3A_82 = arith.addi %scan3A_80, %scan3A_81 : i32
      %scan3A_83 = arith.constant 1 : i32
      scf.for %scan3A_115 = %scan3A_80 to %scan3A_82 step %scan3A_83  : i32 {
        %mul3A_116 = arith.constant 128 : i32
        %mul3A_117 = arith.muli %scan3A_115, %mul3A_116 : i32
        %add3A_118 = arith.constant 0 : i32
        %add3A_119 = arith.addi %mul3A_117, %add3A_118 : i32
        %get3A = arith.index_cast %add3A_119 : i32 to index
        %get3A_120 = tpu.vector_load %arg6[%get3A] {strides = array<i32>} : memref<8192xi32, #tpu.memory_space<vmem>>, vector<16xi32>,
        %gather3A = tpu.vector_load_idx %arg5[%get3A_120] : memref<100000xf32, #tpu.memory_space<vmem>>[vector<16xi32>], vector<16xf32>,
        %swap3A = arith.index_cast %scan3A_115 : i32 to index
        %swap3A_121 = arith.constant 0 : index
        %swap3A_122 = tpu.vector_load %arg7[%swap3A, %swap3A_121] {strides = array<i32>} : memref<64x128xf32, #tpu.memory_space<vmem>>, vector<16xf32>,
        tpu.vector_store %arg7[%swap3A, %swap3A_121], %gather3A {strides = array<i32>} : memref<64x128xf32, #tpu.memory_space<vmem>>, vector<16xf32>,
        %mul3A_123 = arith.constant 128 : i32
        %mul3A_124 = arith.muli %scan3A_115, %mul3A_123 : i32
        %add3A_125 = arith.constant 16 : i32
        %add3A_126 = arith.addi %mul3A_124, %add3A_125 : i32
        %get3A_127 = arith.index_cast %add3A_126 : i32 to index
        %get3A_128 = tpu.vector_load %arg6[%get3A_127] {strides = array<i32>} : memref<8192xi32, #tpu.memory_space<vmem>>, vector<16xi32>,
        %gather3A_129 = tpu.vector_load_idx %arg5[%get3A_128] : memref<100000xf32, #tpu.memory_space<vmem>>[vector<16xi32>], vector<16xf32>,
        %swap3A_130 = arith.index_cast %scan3A_115 : i32 to index
        %swap3A_131 = arith.constant 16 : index
        %swap3A_132 = tpu.vector_load %arg7[%swap3A_130, %swap3A_131] {strides = array<i32>} : memref<64x128xf32, #tpu.memory_space<vmem>>, vector<16xf32>,
        tpu.vector_store %arg7[%swap3A_130, %swap3A_131], %gather3A_129 {strides = array<i32>} : memref<64x128xf32, #tpu.memory_space<vmem>>, vector<16xf32>,
        %mul3A_133 = arith.constant 128 : i32
        %mul3A_134 = arith.muli %scan3A_115, %mul3A_133 : i32
        %add3A_135 = arith.constant 32 : i32
        %add3A_136 = arith.addi %mul3A_134, %add3A_135 : i32
        %get3A_137 = arith.index_cast %add3A_136 : i32 to index
        %get3A_138 = tpu.vector_load %arg6[%get3A_137] {strides = array<i32>} : memref<8192xi32, #tpu.memory_space<vmem>>, vector<16xi32>,
        %gather3A_139 = tpu.vector_load_idx %arg5[%get3A_138] : memref<100000xf32, #tpu.memory_space<vmem>>[vector<16xi32>], vector<16xf32>,
        %swap3A_140 = arith.index_cast %scan3A_115 : i32 to index
        %swap3A_141 = arith.constant 32 : index
        %swap3A_142 = tpu.vector_load %arg7[%swap3A_140, %swap3A_141] {strides = array<i32>} : memref<64x128xf32, #tpu.memory_space<vmem>>, vector<16xf32>,
        tpu.vector_store %arg7[%swap3A_140, %swap3A_141], %gather3A_139 {strides = array<i32>} : memref<64x128xf32, #tpu.memory_space<vmem>>, vector<16xf32>,
        %mul3A_143 = arith.constant 128 : i32
        %mul3A_144 = arith.muli %scan3A_115, %mul3A_143 : i32
        %add3A_145 = arith.constant 48 : i32
        %add3A_146 = arith.addi %mul3A_144, %add3A_145 : i32
        %get3A_147 = arith.index_cast %add3A_146 : i32 to index
        %get3A_148 = tpu.vector_load %arg6[%get3A_147] {strides = array<i32>} : memref<8192xi32, #tpu.memory_space<vmem>>, vector<16xi32>,
        %gather3A_149 = tpu.vector_load_idx %arg5[%get3A_148] : memref<100000xf32, #tpu.memory_space<vmem>>[vector<16xi32>], vector<16xf32>,
        %swap3A_150 = arith.index_cast %scan3A_115 : i32 to index
        %swap3A_151 = arith.constant 48 : index
        %swap3A_152 = tpu.vector_load %arg7[%swap3A_150, %swap3A_151] {strides = array<i32>} : memref<64x128xf32, #tpu.memory_space<vmem>>, vector<16xf32>,
        tpu.vector_store %arg7[%swap3A_150, %swap3A_151], %gather3A_149 {strides = array<i32>} : memref<64x128xf32, #tpu.memory_space<vmem>>, vector<16xf32>,
        %mul3A_153 = arith.constant 128 : i32
        %mul3A_154 = arith.muli %scan3A_115, %mul3A_153 : i32
        %add3A_155 = arith.constant 64 : i32
        %add3A_156 = arith.addi %mul3A_154, %add3A_155 : i32
        %get3A_157 = arith.index_cast %add3A_156 : i32 to index
        %get3A_158 = tpu.vector_load %arg6[%get3A_157] {strides = array<i32>} : memref<8192xi32, #tpu.memory_space<vmem>>, vector<16xi32>,
        %gather3A_159 = tpu.vector_load_idx %arg5[%get3A_158] : memref<100000xf32, #tpu.memory_space<vmem>>[vector<16xi32>], vector<16xf32>,
        %swap3A_160 = arith.index_cast %scan3A_115 : i32 to index
        %swap3A_161 = arith.constant 64 : index
        %swap3A_162 = tpu.vector_load %arg7[%swap3A_160, %swap3A_161] {strides = array<i32>} : memref<64x128xf32, #tpu.memory_space<vmem>>, vector<16xf32>,
        tpu.vector_store %arg7[%swap3A_160, %swap3A_161], %gather3A_159 {strides = array<i32>} : memref<64x128xf32, #tpu.memory_space<vmem>>, vector<16xf32>,
        %mul3A_163 = arith.constant 128 : i32
        %mul3A_164 = arith.muli %scan3A_115, %mul3A_163 : i32
        %add3A_165 = arith.constant 80 : i32
        %add3A_166 = arith.addi %mul3A_164, %add3A_165 : i32
        %get3A_167 = arith.index_cast %add3A_166 : i32 to index
        %get3A_168 = tpu.vector_load %arg6[%get3A_167] {strides = array<i32>} : memref<8192xi32, #tpu.memory_space<vmem>>, vector<16xi32>,
        %gather3A_169 = tpu.vector_load_idx %arg5[%get3A_168] : memref<100000xf32, #tpu.memory_space<vmem>>[vector<16xi32>], vector<16xf32>,
        %swap3A_170 = arith.index_cast %scan3A_115 : i32 to index
        %swap3A_171 = arith.constant 80 : index
        %swap3A_172 = tpu.vector_load %arg7[%swap3A_170, %swap3A_171] {strides = array<i32>} : memref<64x128xf32, #tpu.memory_space<vmem>>, vector<16xf32>,
        tpu.vector_store %arg7[%swap3A_170, %swap3A_171], %gather3A_169 {strides = array<i32>} : memref<64x128xf32, #tpu.memory_space<vmem>>, vector<16xf32>,
        %mul3A_173 = arith.constant 128 : i32
        %mul3A_174 = arith.muli %scan3A_115, %mul3A_173 : i32
        %add3A_175 = arith.constant 96 : i32
        %add3A_176 = arith.addi %mul3A_174, %add3A_175 : i32
        %get3A_177 = arith.index_cast %add3A_176 : i32 to index
        %get3A_178 = tpu.vector_load %arg6[%get3A_177] {strides = array<i32>} : memref<8192xi32, #tpu.memory_space<vmem>>, vector<16xi32>,
        %gather3A_179 = tpu.vector_load_idx %arg5[%get3A_178] : memref<100000xf32, #tpu.memory_space<vmem>>[vector<16xi32>], vector<16xf32>,
        %swap3A_180 = arith.index_cast %scan3A_115 : i32 to index
        %swap3A_181 = arith.constant 96 : index
        %swap3A_182 = tpu.vector_load %arg7[%swap3A_180, %swap3A_181] {strides = array<i32>} : memref<64x128xf32, #tpu.memory_space<vmem>>, vector<16xf32>,
        tpu.vector_store %arg7[%swap3A_180, %swap3A_181], %gather3A_179 {strides = array<i32>} : memref<64x128xf32, #tpu.memory_space<vmem>>, vector<16xf32>,
        %mul3A_183 = arith.constant 128 : i32
        %mul3A_184 = arith.muli %scan3A_115, %mul3A_183 : i32
        %add3A_185 = arith.constant 112 : i32
        %add3A_186 = arith.addi %mul3A_184, %add3A_185 : i32
        %get3A_187 = arith.index_cast %add3A_186 : i32 to index
        %get3A_188 = tpu.vector_load %arg6[%get3A_187] {strides = array<i32>} : memref<8192xi32, #tpu.memory_space<vmem>>, vector<16xi32>,
        %gather3A_189 = tpu.vector_load_idx %arg5[%get3A_188] : memref<100000xf32, #tpu.memory_space<vmem>>[vector<16xi32>], vector<16xf32>,
        %swap3A_190 = arith.index_cast %scan3A_115 : i32 to index
        %swap3A_191 = arith.constant 112 : index
        %swap3A_192 = tpu.vector_load %arg7[%swap3A_190, %swap3A_191] {strides = array<i32>} : memref<64x128xf32, #tpu.memory_space<vmem>>, vector<16xf32>,
        tpu.vector_store %arg7[%swap3A_190, %swap3A_191], %gather3A_189 {strides = array<i32>} : memref<64x128xf32, #tpu.memory_space<vmem>>, vector<16xf32>,
      }
      %scan3A_84 = arith.constant 64 : i32
      %dma_start3A = arith.constant 0 : i32
      %dma_start3A_85 = arith.constant 0 : i32
      %dma_start3A_86 = tpu.memref_slice %arg4[%select_n3A_70, %dma_start3A, %rem3A_72, %dma_start3A_85] : memref<52x128x8x128xf32, #tpu.memory_space<hbm>> -> memref<1x64x1x128xf32, #tpu.memory_space<hbm>>
      %dma_start3A_87 = tpu.memref_squeeze %dma_start3A_86 : memref<1x64x1x128xf32, #tpu.memory_space<hbm>> -> memref<64x128xf32, #tpu.memory_space<hbm>>
      %dma_start3A_88 = arith.constant 0 : i32
      %dma_start3A_89 = arith.constant 0 : i32
      %dma_start3A_90 = tpu.memref_slice %arg4[%select_n3A_70, %dma_start3A_88, %rem3A_72, %dma_start3A_89] : memref<52x128x8x128xf32, #tpu.memory_space<hbm>> -> memref<1x64x1x128xf32, #tpu.memory_space<hbm>>
      %dma_start3A_91 = tpu.memref_squeeze %dma_start3A_90 : memref<1x64x1x128xf32, #tpu.memory_space<hbm>> -> memref<64x128xf32, #tpu.memory_space<hbm>>
      tpu.enqueue_dma source(%arg7 : memref<64x128xf32, #tpu.memory_space<vmem>>) target(%dma_start3A_91 : memref<64x128xf32, #tpu.memory_space<hbm>>) target_semaphore(%arg9 : memref<!tpu.dma_semaphore, #tpu.memory_space<semaphore_mem>>)
      %mul3A_92 = arith.constant 16384 : i32
      %mul3A_93 = arith.muli %select_n3A, %mul3A_92 : i32
      %add3A_94 = arith.constant 8192 : i32
      %add3A_95 = arith.addi %mul3A_93, %add3A_94 : i32
      "tpu.region"() ({
        %run_scoped3A = tpu.sem_alloc : memref<!tpu.dma_semaphore, #tpu.memory_space<semaphore_mem>>
        %dma_start3A_115 = tpu.memref_slice %arg3[%add3A_95] : memref<425984xi32, #tpu.memory_space<hbm>> -> memref<8192xi32, #tpu.memory_space<hbm>>
        %dma_start3A_116 = tpu.memref_slice %arg3[%add3A_95] : memref<425984xi32, #tpu.memory_space<hbm>> -> memref<8192xi32, #tpu.memory_space<hbm>>
        tpu.enqueue_dma source(%dma_start3A_116 : memref<8192xi32, #tpu.memory_space<hbm>>) target(%arg6 : memref<8192xi32, #tpu.memory_space<vmem>>) target_semaphore(%run_scoped3A : memref<!tpu.dma_semaphore, #tpu.memory_space<semaphore_mem>>)
        %dma_wait3A_117 = tpu.memref_slice %arg3[%add3A_95] : memref<425984xi32, #tpu.memory_space<hbm>> -> memref<8192xi32, #tpu.memory_space<hbm>>
        %dma_wait3A_118 = tpu.memref_slice %arg3[%add3A_95] : memref<425984xi32, #tpu.memory_space<hbm>> -> memref<8192xi32, #tpu.memory_space<hbm>>
        tpu.wait_dma2 semaphore(%run_scoped3A : memref<!tpu.dma_semaphore, #tpu.memory_space<semaphore_mem>>) src(%dma_wait3A_118 : memref<8192xi32, #tpu.memory_space<hbm>>) dst(%arg6 : memref<8192xi32, #tpu.memory_space<vmem>>)
        tpu.yield
      }) : () -> ()
      %gt3A_96 = arith.constant 0 : i32
      %gt3A_97 = arith.cmpi sgt, %scan3A_25, %gt3A_96 : i32
      %convert_element_type3A_98 = arith.extui %gt3A_97 : i1 to i32
      %cond3A_99 = arith.constant 0 : i32
      %cond3A_100 = arith.cmpi ne, %convert_element_type3A_98, %cond3A_99 : i32
      scf.if %cond3A_100 {
        %dma_wait3A_115 = arith.constant 0 : i32
        %dma_wait3A_116 = arith.constant 0 : i32
        %dma_wait3A_117 = arith.constant 0 : i32
        %dma_wait3A_118 = arith.constant 0 : i32
        %dma_wait3A_119 = tpu.memref_slice %arg4[%dma_wait3A_115, %dma_wait3A_117, %dma_wait3A_116, %dma_wait3A_118] : memref<52x128x8x128xf32, #tpu.memory_space<hbm>> -> memref<1x64x1x128xf32, #tpu.memory_space<hbm>>
        %dma_wait3A_120 = tpu.memref_squeeze %dma_wait3A_119 : memref<1x64x1x128xf32, #tpu.memory_space<hbm>> -> memref<64x128xf32, #tpu.memory_space<hbm>>
        %dma_wait3A_121 = arith.constant 0 : i32
        %dma_wait3A_122 = arith.constant 0 : i32
        %dma_wait3A_123 = tpu.memref_slice %arg4[%dma_wait3A_115, %dma_wait3A_121, %dma_wait3A_116, %dma_wait3A_122] : memref<52x128x8x128xf32, #tpu.memory_space<hbm>> -> memref<1x64x1x128xf32, #tpu.memory_space<hbm>>
        %dma_wait3A_124 = tpu.memref_squeeze %dma_wait3A_123 : memref<1x64x1x128xf32, #tpu.memory_space<hbm>> -> memref<64x128xf32, #tpu.memory_space<hbm>>
        tpu.wait_dma2 semaphore(%arg10 : memref<!tpu.dma_semaphore, #tpu.memory_space<semaphore_mem>>) src(%dma_wait3A_124 : memref<64x128xf32, #tpu.memory_space<hbm>>) dst(%arg8 : memref<64x128xf32, #tpu.memory_space<vmem>>)
      } else {
      }
      %scan3A_101 = arith.constant 0 : i32
      %scan3A_102 = arith.constant 0 : i32
      %scan3A_103 = arith.constant 64 : i32
      %scan3A_104 = arith.addi %scan3A_102, %scan3A_103 : i32
      %scan3A_105 = arith.constant 1 : i32
      scf.for %scan3A_115 = %scan3A_102 to %scan3A_104 step %scan3A_105  : i32 {
        %mul3A_116 = arith.constant 128 : i32
        %mul3A_117 = arith.muli %scan3A_115, %mul3A_116 : i32
        %add3A_118 = arith.constant 0 : i32
        %add3A_119 = arith.addi %mul3A_117, %add3A_118 : i32
        %get3A = arith.index_cast %add3A_119 : i32 to index
        %get3A_120 = tpu.vector_load %arg6[%get3A] {strides = array<i32>} : memref<8192xi32, #tpu.memory_space<vmem>>, vector<16xi32>,
        %gather3A = tpu.vector_load_idx %arg5[%get3A_120] : memref<100000xf32, #tpu.memory_space<vmem>>[vector<16xi32>], vector<16xf32>,
        %swap3A = arith.index_cast %scan3A_115 : i32 to index
        %swap3A_121 = arith.constant 0 : index
        %swap3A_122 = tpu.vector_load %arg8[%swap3A, %swap3A_121] {strides = array<i32>} : memref<64x128xf32, #tpu.memory_space<vmem>>, vector<16xf32>,
        tpu.vector_store %arg8[%swap3A, %swap3A_121], %gather3A {strides = array<i32>} : memref<64x128xf32, #tpu.memory_space<vmem>>, vector<16xf32>,
        %mul3A_123 = arith.constant 128 : i32
        %mul3A_124 = arith.muli %scan3A_115, %mul3A_123 : i32
        %add3A_125 = arith.constant 16 : i32
        %add3A_126 = arith.addi %mul3A_124, %add3A_125 : i32
        %get3A_127 = arith.index_cast %add3A_126 : i32 to index
        %get3A_128 = tpu.vector_load %arg6[%get3A_127] {strides = array<i32>} : memref<8192xi32, #tpu.memory_space<vmem>>, vector<16xi32>,
        %gather3A_129 = tpu.vector_load_idx %arg5[%get3A_128] : memref<100000xf32, #tpu.memory_space<vmem>>[vector<16xi32>], vector<16xf32>,
        %swap3A_130 = arith.index_cast %scan3A_115 : i32 to index
        %swap3A_131 = arith.constant 16 : index
        %swap3A_132 = tpu.vector_load %arg8[%swap3A_130, %swap3A_131] {strides = array<i32>} : memref<64x128xf32, #tpu.memory_space<vmem>>, vector<16xf32>,
        tpu.vector_store %arg8[%swap3A_130, %swap3A_131], %gather3A_129 {strides = array<i32>} : memref<64x128xf32, #tpu.memory_space<vmem>>, vector<16xf32>,
        %mul3A_133 = arith.constant 128 : i32
        %mul3A_134 = arith.muli %scan3A_115, %mul3A_133 : i32
        %add3A_135 = arith.constant 32 : i32
        %add3A_136 = arith.addi %mul3A_134, %add3A_135 : i32
        %get3A_137 = arith.index_cast %add3A_136 : i32 to index
        %get3A_138 = tpu.vector_load %arg6[%get3A_137] {strides = array<i32>} : memref<8192xi32, #tpu.memory_space<vmem>>, vector<16xi32>,
        %gather3A_139 = tpu.vector_load_idx %arg5[%get3A_138] : memref<100000xf32, #tpu.memory_space<vmem>>[vector<16xi32>], vector<16xf32>,
        %swap3A_140 = arith.index_cast %scan3A_115 : i32 to index
        %swap3A_141 = arith.constant 32 : index
        %swap3A_142 = tpu.vector_load %arg8[%swap3A_140, %swap3A_141] {strides = array<i32>} : memref<64x128xf32, #tpu.memory_space<vmem>>, vector<16xf32>,
        tpu.vector_store %arg8[%swap3A_140, %swap3A_141], %gather3A_139 {strides = array<i32>} : memref<64x128xf32, #tpu.memory_space<vmem>>, vector<16xf32>,
        %mul3A_143 = arith.constant 128 : i32
        %mul3A_144 = arith.muli %scan3A_115, %mul3A_143 : i32
        %add3A_145 = arith.constant 48 : i32
        %add3A_146 = arith.addi %mul3A_144, %add3A_145 : i32
        %get3A_147 = arith.index_cast %add3A_146 : i32 to index
        %get3A_148 = tpu.vector_load %arg6[%get3A_147] {strides = array<i32>} : memref<8192xi32, #tpu.memory_space<vmem>>, vector<16xi32>,
        %gather3A_149 = tpu.vector_load_idx %arg5[%get3A_148] : memref<100000xf32, #tpu.memory_space<vmem>>[vector<16xi32>], vector<16xf32>,
        %swap3A_150 = arith.index_cast %scan3A_115 : i32 to index
        %swap3A_151 = arith.constant 48 : index
        %swap3A_152 = tpu.vector_load %arg8[%swap3A_150, %swap3A_151] {strides = array<i32>} : memref<64x128xf32, #tpu.memory_space<vmem>>, vector<16xf32>,
        tpu.vector_store %arg8[%swap3A_150, %swap3A_151], %gather3A_149 {strides = array<i32>} : memref<64x128xf32, #tpu.memory_space<vmem>>, vector<16xf32>,
        %mul3A_153 = arith.constant 128 : i32
        %mul3A_154 = arith.muli %scan3A_115, %mul3A_153 : i32
        %add3A_155 = arith.constant 64 : i32
        %add3A_156 = arith.addi %mul3A_154, %add3A_155 : i32
        %get3A_157 = arith.index_cast %add3A_156 : i32 to index
        %get3A_158 = tpu.vector_load %arg6[%get3A_157] {strides = array<i32>} : memref<8192xi32, #tpu.memory_space<vmem>>, vector<16xi32>,
        %gather3A_159 = tpu.vector_load_idx %arg5[%get3A_158] : memref<100000xf32, #tpu.memory_space<vmem>>[vector<16xi32>], vector<16xf32>,
        %swap3A_160 = arith.index_cast %scan3A_115 : i32 to index
        %swap3A_161 = arith.constant 64 : index
        %swap3A_162 = tpu.vector_load %arg8[%swap3A_160, %swap3A_161] {strides = array<i32>} : memref<64x128xf32, #tpu.memory_space<vmem>>, vector<16xf32>,
        tpu.vector_store %arg8[%swap3A_160, %swap3A_161], %gather3A_159 {strides = array<i32>} : memref<64x128xf32, #tpu.memory_space<vmem>>, vector<16xf32>,
        %mul3A_163 = arith.constant 128 : i32
        %mul3A_164 = arith.muli %scan3A_115, %mul3A_163 : i32
        %add3A_165 = arith.constant 80 : i32
        %add3A_166 = arith.addi %mul3A_164, %add3A_165 : i32
        %get3A_167 = arith.index_cast %add3A_166 : i32 to index
        %get3A_168 = tpu.vector_load %arg6[%get3A_167] {strides = array<i32>} : memref<8192xi32, #tpu.memory_space<vmem>>, vector<16xi32>,
        %gather3A_169 = tpu.vector_load_idx %arg5[%get3A_168] : memref<100000xf32, #tpu.memory_space<vmem>>[vector<16xi32>], vector<16xf32>,
        %swap3A_170 = arith.index_cast %scan3A_115 : i32 to index
        %swap3A_171 = arith.constant 80 : index
        %swap3A_172 = tpu.vector_load %arg8[%swap3A_170, %swap3A_171] {strides = array<i32>} : memref<64x128xf32, #tpu.memory_space<vmem>>, vector<16xf32>,
        tpu.vector_store %arg8[%swap3A_170, %swap3A_171], %gather3A_169 {strides = array<i32>} : memref<64x128xf32, #tpu.memory_space<vmem>>, vector<16xf32>,
        %mul3A_173 = arith.constant 128 : i32
        %mul3A_174 = arith.muli %scan3A_115, %mul3A_173 : i32
        %add3A_175 = arith.constant 96 : i32
        %add3A_176 = arith.addi %mul3A_174, %add3A_175 : i32
        %get3A_177 = arith.index_cast %add3A_176 : i32 to index
        %get3A_178 = tpu.vector_load %arg6[%get3A_177] {strides = array<i32>} : memref<8192xi32, #tpu.memory_space<vmem>>, vector<16xi32>,
        %gather3A_179 = tpu.vector_load_idx %arg5[%get3A_178] : memref<100000xf32, #tpu.memory_space<vmem>>[vector<16xi32>], vector<16xf32>,
        %swap3A_180 = arith.index_cast %scan3A_115 : i32 to index
        %swap3A_181 = arith.constant 96 : index
        %swap3A_182 = tpu.vector_load %arg8[%swap3A_180, %swap3A_181] {strides = array<i32>} : memref<64x128xf32, #tpu.memory_space<vmem>>, vector<16xf32>,
        tpu.vector_store %arg8[%swap3A_180, %swap3A_181], %gather3A_179 {strides = array<i32>} : memref<64x128xf32, #tpu.memory_space<vmem>>, vector<16xf32>,
        %mul3A_183 = arith.constant 128 : i32
        %mul3A_184 = arith.muli %scan3A_115, %mul3A_183 : i32
        %add3A_185 = arith.constant 112 : i32
        %add3A_186 = arith.addi %mul3A_184, %add3A_185 : i32
        %get3A_187 = arith.index_cast %add3A_186 : i32 to index
        %get3A_188 = tpu.vector_load %arg6[%get3A_187] {strides = array<i32>} : memref<8192xi32, #tpu.memory_space<vmem>>, vector<16xi32>,
        %gather3A_189 = tpu.vector_load_idx %arg5[%get3A_188] : memref<100000xf32, #tpu.memory_space<vmem>>[vector<16xi32>], vector<16xf32>,
        %swap3A_190 = arith.index_cast %scan3A_115 : i32 to index
        %swap3A_191 = arith.constant 112 : index
        %swap3A_192 = tpu.vector_load %arg8[%swap3A_190, %swap3A_191] {strides = array<i32>} : memref<64x128xf32, #tpu.memory_space<vmem>>, vector<16xf32>,
        tpu.vector_store %arg8[%swap3A_190, %swap3A_191], %gather3A_189 {strides = array<i32>} : memref<64x128xf32, #tpu.memory_space<vmem>>, vector<16xf32>,
      }
      %scan3A_106 = arith.constant 64 : i32
      %dma_start3A_107 = arith.constant 64 : i32
      %dma_start3A_108 = arith.constant 0 : i32
      %dma_start3A_109 = tpu.memref_slice %arg4[%select_n3A_70, %dma_start3A_107, %rem3A_72, %dma_start3A_108] : memref<52x128x8x128xf32, #tpu.memory_space<hbm>> -> memref<1x64x1x128xf32, #tpu.memory_space<hbm>>
      %dma_start3A_110 = tpu.memref_squeeze %dma_start3A_109 : memref<1x64x1x128xf32, #tpu.memory_space<hbm>> -> memref<64x128xf32, #tpu.memory_space<hbm>>
      %dma_start3A_111 = arith.constant 64 : i32
      %dma_start3A_112 = arith.constant 0 : i32
      %dma_start3A_113 = tpu.memref_slice %arg4[%select_n3A_70, %dma_start3A_111, %rem3A_72, %dma_start3A_112] : memref<52x128x8x128xf32, #tpu.memory_space<hbm>> -> memref<1x64x1x128xf32, #tpu.memory_space<hbm>>
      %dma_start3A_114 = tpu.memref_squeeze %dma_start3A_113 : memref<1x64x1x128xf32, #tpu.memory_space<hbm>> -> memref<64x128xf32, #tpu.memory_space<hbm>>
      tpu.enqueue_dma source(%arg8 : memref<64x128xf32, #tpu.memory_space<vmem>>) target(%dma_start3A_114 : memref<64x128xf32, #tpu.memory_space<hbm>>) target_semaphore(%arg10 : memref<!tpu.dma_semaphore, #tpu.memory_space<semaphore_mem>>)
    }
    %scan3A_5 = arith.constant 13 : i32
    %dma_wait3A = arith.constant 0 : i32
    %dma_wait3A_6 = arith.constant 0 : i32
    %dma_wait3A_7 = arith.constant 0 : i32
    %dma_wait3A_8 = arith.constant 0 : i32
    %dma_wait3A_9 = tpu.memref_slice %arg4[%dma_wait3A, %dma_wait3A_7, %dma_wait3A_6, %dma_wait3A_8] : memref<52x128x8x128xf32, #tpu.memory_space<hbm>> -> memref<1x64x1x128xf32, #tpu.memory_space<hbm>>
    %dma_wait3A_10 = tpu.memref_squeeze %dma_wait3A_9 : memref<1x64x1x128xf32, #tpu.memory_space<hbm>> -> memref<64x128xf32, #tpu.memory_space<hbm>>
    %dma_wait3A_11 = arith.constant 0 : i32
    %dma_wait3A_12 = arith.constant 0 : i32
    %dma_wait3A_13 = tpu.memref_slice %arg4[%dma_wait3A, %dma_wait3A_11, %dma_wait3A_6, %dma_wait3A_12] : memref<52x128x8x128xf32, #tpu.memory_space<hbm>> -> memref<1x64x1x128xf32, #tpu.memory_space<hbm>>
    %dma_wait3A_14 = tpu.memref_squeeze %dma_wait3A_13 : memref<1x64x1x128xf32, #tpu.memory_space<hbm>> -> memref<64x128xf32, #tpu.memory_space<hbm>>
    tpu.wait_dma2 semaphore(%arg9 : memref<!tpu.dma_semaphore, #tpu.memory_space<semaphore_mem>>) src(%dma_wait3A_14 : memref<64x128xf32, #tpu.memory_space<hbm>>) dst(%arg7 : memref<64x128xf32, #tpu.memory_space<vmem>>)
    %dma_wait3A_15 = arith.constant 0 : i32
    %dma_wait3A_16 = arith.constant 0 : i32
    %dma_wait3A_17 = arith.constant 0 : i32
    %dma_wait3A_18 = arith.constant 0 : i32
    %dma_wait3A_19 = tpu.memref_slice %arg4[%dma_wait3A_15, %dma_wait3A_17, %dma_wait3A_16, %dma_wait3A_18] : memref<52x128x8x128xf32, #tpu.memory_space<hbm>> -> memref<1x64x1x128xf32, #tpu.memory_space<hbm>>
    %dma_wait3A_20 = tpu.memref_squeeze %dma_wait3A_19 : memref<1x64x1x128xf32, #tpu.memory_space<hbm>> -> memref<64x128xf32, #tpu.memory_space<hbm>>
    %dma_wait3A_21 = arith.constant 0 : i32
    %dma_wait3A_22 = arith.constant 0 : i32
    %dma_wait3A_23 = tpu.memref_slice %arg4[%dma_wait3A_15, %dma_wait3A_21, %dma_wait3A_16, %dma_wait3A_22] : memref<52x128x8x128xf32, #tpu.memory_space<hbm>> -> memref<1x64x1x128xf32, #tpu.memory_space<hbm>>
    %dma_wait3A_24 = tpu.memref_squeeze %dma_wait3A_23 : memref<1x64x1x128xf32, #tpu.memory_space<hbm>> -> memref<64x128xf32, #tpu.memory_space<hbm>>
    tpu.wait_dma2 semaphore(%arg10 : memref<!tpu.dma_semaphore, #tpu.memory_space<semaphore_mem>>) src(%dma_wait3A_24 : memref<64x128xf32, #tpu.memory_space<hbm>>) dst(%arg8 : memref<64x128xf32, #tpu.memory_space<vmem>>)
    return
  }
}

module attributes {stable_mosaic.version = 14 : i64} {
  func.func @body(%arg0: i32, %arg1: memref<52x8x8x128xf32, #tpu.memory_space<vmem>>, %arg2: memref<416x16xf32, #tpu.memory_space<vmem>>, %arg3: memref<416x256xf32, #tpu.memory_space<vmem>>, %arg4: memref<256x1xf32, #tpu.memory_space<vmem>>, %arg5: memref<256x128xf32, #tpu.memory_space<vmem>>, %arg6: memref<128x1xf32, #tpu.memory_space<vmem>>, %arg7: memref<128x1xf32, #tpu.memory_space<vmem>>, %arg8: memref<1x1xf32, #tpu.memory_space<vmem>>, %arg9: memref<416x256xf32, #tpu.memory_space<vmem>>, %arg10: memref<256x1xf32, #tpu.memory_space<vmem>>, %arg11: memref<256x128xf32, #tpu.memory_space<vmem>>, %arg12: memref<128x1xf32, #tpu.memory_space<vmem>>, %arg13: memref<128x1xf32, #tpu.memory_space<vmem>>, %arg14: memref<1x1xf32, #tpu.memory_space<vmem>>, %arg15: memref<1024x3xf32, #tpu.memory_space<vmem>>) attributes {dimension_semantics = [#tpu.dimension_semantics<arbitrary>], iteration_bounds = array<i64: 16>, scalar_prefetch = 0 : i64, scratch_operands = 0 : i64, tpu.core_type = #tpu.core_type<tc>, window_params = [{transform_indices = @transform_0, window_bounds = array<i64: 52, 8, 8, 128>}, {pipeline_mode = #tpu.pipeline_mode<synchronous>, transform_indices = @transform_1, window_bounds = array<i64: 416, 16>}, {pipeline_mode = #tpu.pipeline_mode<synchronous>, transform_indices = @transform_2, window_bounds = array<i64: 416, 256>}, {pipeline_mode = #tpu.pipeline_mode<synchronous>, transform_indices = @transform_3, window_bounds = array<i64: 256, 1>}, {pipeline_mode = #tpu.pipeline_mode<synchronous>, transform_indices = @transform_4, window_bounds = array<i64: 256, 128>}, {pipeline_mode = #tpu.pipeline_mode<synchronous>, transform_indices = @transform_5, window_bounds = array<i64: 128, 1>}, {pipeline_mode = #tpu.pipeline_mode<synchronous>, transform_indices = @transform_6, window_bounds = array<i64: 128, 1>}, {pipeline_mode = #tpu.pipeline_mode<synchronous>, transform_indices = @transform_7, window_bounds = array<i64: 1, 1>}, {pipeline_mode = #tpu.pipeline_mode<synchronous>, transform_indices = @transform_8, window_bounds = array<i64: 416, 256>}, {pipeline_mode = #tpu.pipeline_mode<synchronous>, transform_indices = @transform_9, window_bounds = array<i64: 256, 1>}, {pipeline_mode = #tpu.pipeline_mode<synchronous>, transform_indices = @transform_10, window_bounds = array<i64: 256, 128>}, {pipeline_mode = #tpu.pipeline_mode<synchronous>, transform_indices = @transform_11, window_bounds = array<i64: 128, 1>}, {pipeline_mode = #tpu.pipeline_mode<synchronous>, transform_indices = @transform_12, window_bounds = array<i64: 128, 1>}, {pipeline_mode = #tpu.pipeline_mode<synchronous>, transform_indices = @transform_13, window_bounds = array<i64: 1, 1>}, {transform_indices = @transform_14, window_bounds = array<i64: 1024, 3>}]} {
    %get3A = arith.constant 0 : index
    %get3A_0 = arith.constant 0 : index
    %get3A_1 = arith.constant 0 : index
    %get3A_2 = arith.constant 0 : index
    %get3A_3 = vector.load %arg1[%get3A, %get3A_0, %get3A_1, %get3A_2] : memref<52x8x8x128xf32, #tpu.memory_space<vmem>>, vector<52x1x8x128xf32>
    %get3A_4 = vector.shape_cast %get3A_3 : vector<52x1x8x128xf32> to vector<52x8x128xf32>
    %reshape3A = vector.shape_cast %get3A_4 : vector<52x8x128xf32> to vector<416x128xf32>
    %get3A_5 = arith.constant 0 : index
    %get3A_6 = arith.constant 1 : index
    %get3A_7 = arith.constant 0 : index
    %get3A_8 = arith.constant 0 : index
    %get3A_9 = vector.load %arg1[%get3A_5, %get3A_6, %get3A_7, %get3A_8] : memref<52x8x8x128xf32, #tpu.memory_space<vmem>>, vector<52x1x8x128xf32>
    %get3A_10 = vector.shape_cast %get3A_9 : vector<52x1x8x128xf32> to vector<52x8x128xf32>
    %reshape3A_11 = vector.shape_cast %get3A_10 : vector<52x8x128xf32> to vector<416x128xf32>
    %get3A_12 = arith.constant 0 : index
    %get3A_13 = arith.constant 2 : index
    %get3A_14 = arith.constant 0 : index
    %get3A_15 = arith.constant 0 : index
    %get3A_16 = vector.load %arg1[%get3A_12, %get3A_13, %get3A_14, %get3A_15] : memref<52x8x8x128xf32, #tpu.memory_space<vmem>>, vector<52x1x8x128xf32>
    %get3A_17 = vector.shape_cast %get3A_16 : vector<52x1x8x128xf32> to vector<52x8x128xf32>
    %reshape3A_18 = vector.shape_cast %get3A_17 : vector<52x8x128xf32> to vector<416x128xf32>
    %get3A_19 = arith.constant 0 : index
    %get3A_20 = arith.constant 3 : index
    %get3A_21 = arith.constant 0 : index
    %get3A_22 = arith.constant 0 : index
    %get3A_23 = vector.load %arg1[%get3A_19, %get3A_20, %get3A_21, %get3A_22] : memref<52x8x8x128xf32, #tpu.memory_space<vmem>>, vector<52x1x8x128xf32>
    %get3A_24 = vector.shape_cast %get3A_23 : vector<52x1x8x128xf32> to vector<52x8x128xf32>
    %reshape3A_25 = vector.shape_cast %get3A_24 : vector<52x8x128xf32> to vector<416x128xf32>
    %get3A_26 = arith.constant 0 : index
    %get3A_27 = arith.constant 4 : index
    %get3A_28 = arith.constant 0 : index
    %get3A_29 = arith.constant 0 : index
    %get3A_30 = vector.load %arg1[%get3A_26, %get3A_27, %get3A_28, %get3A_29] : memref<52x8x8x128xf32, #tpu.memory_space<vmem>>, vector<52x1x8x128xf32>
    %get3A_31 = vector.shape_cast %get3A_30 : vector<52x1x8x128xf32> to vector<52x8x128xf32>
    %reshape3A_32 = vector.shape_cast %get3A_31 : vector<52x8x128xf32> to vector<416x128xf32>
    %get3A_33 = arith.constant 0 : index
    %get3A_34 = arith.constant 5 : index
    %get3A_35 = arith.constant 0 : index
    %get3A_36 = arith.constant 0 : index
    %get3A_37 = vector.load %arg1[%get3A_33, %get3A_34, %get3A_35, %get3A_36] : memref<52x8x8x128xf32, #tpu.memory_space<vmem>>, vector<52x1x8x128xf32>
    %get3A_38 = vector.shape_cast %get3A_37 : vector<52x1x8x128xf32> to vector<52x8x128xf32>
    %reshape3A_39 = vector.shape_cast %get3A_38 : vector<52x8x128xf32> to vector<416x128xf32>
    %get3A_40 = arith.constant 0 : index
    %get3A_41 = arith.constant 6 : index
    %get3A_42 = arith.constant 0 : index
    %get3A_43 = arith.constant 0 : index
    %get3A_44 = vector.load %arg1[%get3A_40, %get3A_41, %get3A_42, %get3A_43] : memref<52x8x8x128xf32, #tpu.memory_space<vmem>>, vector<52x1x8x128xf32>
    %get3A_45 = vector.shape_cast %get3A_44 : vector<52x1x8x128xf32> to vector<52x8x128xf32>
    %reshape3A_46 = vector.shape_cast %get3A_45 : vector<52x8x128xf32> to vector<416x128xf32>
    %get3A_47 = arith.constant 0 : index
    %get3A_48 = arith.constant 7 : index
    %get3A_49 = arith.constant 0 : index
    %get3A_50 = arith.constant 0 : index
    %get3A_51 = vector.load %arg1[%get3A_47, %get3A_48, %get3A_49, %get3A_50] : memref<52x8x8x128xf32, #tpu.memory_space<vmem>>, vector<52x1x8x128xf32>
    %get3A_52 = vector.shape_cast %get3A_51 : vector<52x1x8x128xf32> to vector<52x8x128xf32>
    %reshape3A_53 = vector.shape_cast %get3A_52 : vector<52x8x128xf32> to vector<416x128xf32>
    %concatenate3A = tpu.concatenate %reshape3A, %reshape3A_11, %reshape3A_18, %reshape3A_25, %reshape3A_32, %reshape3A_39, %reshape3A_46, %reshape3A_53 in 1 : vector<416x128xf32>, vector<416x128xf32>, vector<416x128xf32>, vector<416x128xf32>, vector<416x128xf32>, vector<416x128xf32>, vector<416x128xf32>, vector<416x128xf32> -> vector<416x1024xf32>
    %get3A_54 = arith.constant 0 : index
    %get3A_55 = arith.constant 0 : index
    %get3A_56 = vector.load %arg2[%get3A_54, %get3A_55] : memref<416x16xf32, #tpu.memory_space<vmem>>, vector<416x16xf32>
    %dot_general3A = arith.constant dense<0.000000e+00> : vector<16x1024xf32>
    %dot_general3A_57 = tpu.matmul %get3A_56, %concatenate3A, %dot_general3A {dimension_numbers = #tpu.dot_dimension_numbers<[0], [0], [1], [1], [0, 1, 1, 1], [], []>, transpose_lhs_hint = false} : vector<416x16xf32>, vector<416x1024xf32>, vector<16x1024xf32> -> vector<16x1024xf32>
    %mul3A = arith.mulf %dot_general3A_57, %dot_general3A_57 : vector<16x1024xf32>
    %reduce_sum3A = arith.constant dense<0.000000e+00> : vector<1024xf32>
    %reduce_sum3A_58 = vector.multi_reduction <add>, %mul3A, %reduce_sum3A [0] : vector<16x1024xf32> to vector<1024xf32>
    %broadcast_in_dim3A = vector.shape_cast %reduce_sum3A_58 : vector<1024xf32> to vector<1x1024xf32>
    %mul3A_59 = arith.mulf %concatenate3A, %concatenate3A : vector<416x1024xf32>
    %reduce_sum3A_60 = arith.constant dense<0.000000e+00> : vector<1024xf32>
    %reduce_sum3A_61 = vector.multi_reduction <add>, %mul3A_59, %reduce_sum3A_60 [0] : vector<416x1024xf32> to vector<1024xf32>
    %broadcast_in_dim3A_62 = vector.shape_cast %reduce_sum3A_61 : vector<1024xf32> to vector<1x1024xf32>
    %sub3A = arith.subf %broadcast_in_dim3A, %broadcast_in_dim3A_62 : vector<1x1024xf32>
    %mul3A_63 = arith.constant 5.000000e-01 : f32
    %mul3A_64 = vector.broadcast %mul3A_63 : f32 to vector<1x1024xf32>
    %mul3A_65 = arith.mulf %mul3A_64, %sub3A : vector<1x1024xf32>
    %get3A_66 = arith.constant 0 : index
    %get3A_67 = arith.constant 0 : index
    %get3A_68 = vector.load %arg3[%get3A_66, %get3A_67] : memref<416x256xf32, #tpu.memory_space<vmem>>, vector<416x256xf32>
    %dot_general3A_69 = arith.constant dense<0.000000e+00> : vector<256x1024xf32>
    %dot_general3A_70 = tpu.matmul %get3A_68, %concatenate3A, %dot_general3A_69 {dimension_numbers = #tpu.dot_dimension_numbers<[0], [0], [1], [1], [0, 1, 1, 1], [], []>, transpose_lhs_hint = false} : vector<416x256xf32>, vector<416x1024xf32>, vector<256x1024xf32> -> vector<256x1024xf32>
    %get3A_71 = arith.constant 0 : index
    %get3A_72 = arith.constant 0 : index
    %get3A_73 = vector.load %arg4[%get3A_71, %get3A_72] : memref<256x1xf32, #tpu.memory_space<vmem>>, vector<256x1xf32>
    %add3A = vector.broadcast %get3A_73 : vector<256x1xf32> to vector<256x1024xf32>
    %add3A_74 = arith.addf %dot_general3A_70, %add3A : vector<256x1024xf32>
    %max3A = arith.constant 0.000000e+00 : f32
    %max3A_75 = vector.broadcast %max3A : f32 to vector<256x1024xf32>
    %max3A_76 = arith.maximumf %add3A_74, %max3A_75 : vector<256x1024xf32>
    %get3A_77 = arith.constant 0 : index
    %get3A_78 = arith.constant 0 : index
    %get3A_79 = vector.load %arg5[%get3A_77, %get3A_78] : memref<256x128xf32, #tpu.memory_space<vmem>>, vector<256x128xf32>
    %dot_general3A_80 = arith.constant dense<0.000000e+00> : vector<128x1024xf32>
    %dot_general3A_81 = tpu.matmul %get3A_79, %max3A_76, %dot_general3A_80 {dimension_numbers = #tpu.dot_dimension_numbers<[0], [0], [1], [1], [0, 1, 1, 1], [], []>, transpose_lhs_hint = false} : vector<256x128xf32>, vector<256x1024xf32>, vector<128x1024xf32> -> vector<128x1024xf32>
    %get3A_82 = arith.constant 0 : index
    %get3A_83 = arith.constant 0 : index
    %get3A_84 = vector.load %arg6[%get3A_82, %get3A_83] : memref<128x1xf32, #tpu.memory_space<vmem>>, vector<128x1xf32>
    %add3A_85 = vector.broadcast %get3A_84 : vector<128x1xf32> to vector<128x1024xf32>
    %add3A_86 = arith.addf %dot_general3A_81, %add3A_85 : vector<128x1024xf32>
    %max3A_87 = arith.constant 0.000000e+00 : f32
    %max3A_88 = vector.broadcast %max3A_87 : f32 to vector<128x1024xf32>
    %max3A_89 = arith.maximumf %add3A_86, %max3A_88 : vector<128x1024xf32>
    %get3A_90 = arith.constant 0 : index
    %get3A_91 = arith.constant 0 : index
    %get3A_92 = vector.load %arg7[%get3A_90, %get3A_91] : memref<128x1xf32, #tpu.memory_space<vmem>>, vector<128x1xf32>
    %dot_general3A_93 = arith.constant dense<0.000000e+00> : vector<1x1024xf32>
    %dot_general3A_94 = tpu.matmul %get3A_92, %max3A_89, %dot_general3A_93 {dimension_numbers = #tpu.dot_dimension_numbers<[0], [0], [1], [1], [0, 1, 1, 1], [], []>, transpose_lhs_hint = false} : vector<128x1xf32>, vector<128x1024xf32>, vector<1x1024xf32> -> vector<1x1024xf32>
    %get3A_95 = arith.constant 0 : index
    %get3A_96 = arith.constant 0 : index
    %get3A_97 = vector.load %arg8[%get3A_95, %get3A_96] : memref<1x1xf32, #tpu.memory_space<vmem>>, vector<1x1xf32>
    %add3A_98 = vector.broadcast %get3A_97 : vector<1x1xf32> to vector<1x1024xf32>
    %add3A_99 = arith.addf %dot_general3A_94, %add3A_98 : vector<1x1024xf32>
    %add3A_100 = arith.addf %add3A_99, %mul3A_65 : vector<1x1024xf32>
    %neg3A = arith.constant 0.000000e+00 : f32
    %neg3A_101 = vector.broadcast %neg3A : f32 to vector<1x1024xf32>
    %neg3A_102 = arith.subf %neg3A_101, %add3A_100 : vector<1x1024xf32>
    %exp3A = math.exp %neg3A_102 : vector<1x1024xf32>
    %add3A_103 = arith.constant 1.000000e+00 : f32
    %add3A_104 = vector.broadcast %add3A_103 : f32 to vector<1x1024xf32>
    %add3A_105 = arith.addf %add3A_104, %exp3A : vector<1x1024xf32>
    %div3A = arith.constant 1.000000e+00 : f32
    %div3A_106 = vector.broadcast %div3A : f32 to vector<1x1024xf32>
    %div3A_107 = arith.divf %div3A_106, %add3A_105 : vector<1x1024xf32>
    %get3A_108 = arith.constant 0 : index
    %get3A_109 = arith.constant 0 : index
    %get3A_110 = vector.load %arg9[%get3A_108, %get3A_109] : memref<416x256xf32, #tpu.memory_space<vmem>>, vector<416x256xf32>
    %dot_general3A_111 = arith.constant dense<0.000000e+00> : vector<256x1024xf32>
    %dot_general3A_112 = tpu.matmul %get3A_110, %concatenate3A, %dot_general3A_111 {dimension_numbers = #tpu.dot_dimension_numbers<[0], [0], [1], [1], [0, 1, 1, 1], [], []>, transpose_lhs_hint = false} : vector<416x256xf32>, vector<416x1024xf32>, vector<256x1024xf32> -> vector<256x1024xf32>
    %get3A_113 = arith.constant 0 : index
    %get3A_114 = arith.constant 0 : index
    %get3A_115 = vector.load %arg10[%get3A_113, %get3A_114] : memref<256x1xf32, #tpu.memory_space<vmem>>, vector<256x1xf32>
    %add3A_116 = vector.broadcast %get3A_115 : vector<256x1xf32> to vector<256x1024xf32>
    %add3A_117 = arith.addf %dot_general3A_112, %add3A_116 : vector<256x1024xf32>
    %max3A_118 = arith.constant 0.000000e+00 : f32
    %max3A_119 = vector.broadcast %max3A_118 : f32 to vector<256x1024xf32>
    %max3A_120 = arith.maximumf %add3A_117, %max3A_119 : vector<256x1024xf32>
    %get3A_121 = arith.constant 0 : index
    %get3A_122 = arith.constant 0 : index
    %get3A_123 = vector.load %arg11[%get3A_121, %get3A_122] : memref<256x128xf32, #tpu.memory_space<vmem>>, vector<256x128xf32>
    %dot_general3A_124 = arith.constant dense<0.000000e+00> : vector<128x1024xf32>
    %dot_general3A_125 = tpu.matmul %get3A_123, %max3A_120, %dot_general3A_124 {dimension_numbers = #tpu.dot_dimension_numbers<[0], [0], [1], [1], [0, 1, 1, 1], [], []>, transpose_lhs_hint = false} : vector<256x128xf32>, vector<256x1024xf32>, vector<128x1024xf32> -> vector<128x1024xf32>
    %get3A_126 = arith.constant 0 : index
    %get3A_127 = arith.constant 0 : index
    %get3A_128 = vector.load %arg12[%get3A_126, %get3A_127] : memref<128x1xf32, #tpu.memory_space<vmem>>, vector<128x1xf32>
    %add3A_129 = vector.broadcast %get3A_128 : vector<128x1xf32> to vector<128x1024xf32>
    %add3A_130 = arith.addf %dot_general3A_125, %add3A_129 : vector<128x1024xf32>
    %max3A_131 = arith.constant 0.000000e+00 : f32
    %max3A_132 = vector.broadcast %max3A_131 : f32 to vector<128x1024xf32>
    %max3A_133 = arith.maximumf %add3A_130, %max3A_132 : vector<128x1024xf32>
    %get3A_134 = arith.constant 0 : index
    %get3A_135 = arith.constant 0 : index
    %get3A_136 = vector.load %arg13[%get3A_134, %get3A_135] : memref<128x1xf32, #tpu.memory_space<vmem>>, vector<128x1xf32>
    %dot_general3A_137 = arith.constant dense<0.000000e+00> : vector<1x1024xf32>
    %dot_general3A_138 = tpu.matmul %get3A_136, %max3A_133, %dot_general3A_137 {dimension_numbers = #tpu.dot_dimension_numbers<[0], [0], [1], [1], [0, 1, 1, 1], [], []>, transpose_lhs_hint = false} : vector<128x1xf32>, vector<128x1024xf32>, vector<1x1024xf32> -> vector<1x1024xf32>
    %get3A_139 = arith.constant 0 : index
    %get3A_140 = arith.constant 0 : index
    %get3A_141 = vector.load %arg14[%get3A_139, %get3A_140] : memref<1x1xf32, #tpu.memory_space<vmem>>, vector<1x1xf32>
    %add3A_142 = vector.broadcast %get3A_141 : vector<1x1xf32> to vector<1x1024xf32>
    %add3A_143 = arith.addf %dot_general3A_138, %add3A_142 : vector<1x1024xf32>
    %add3A_144 = arith.addf %add3A_143, %mul3A_65 : vector<1x1024xf32>
    %neg3A_145 = arith.constant 0.000000e+00 : f32
    %neg3A_146 = vector.broadcast %neg3A_145 : f32 to vector<1x1024xf32>
    %neg3A_147 = arith.subf %neg3A_146, %add3A_144 : vector<1x1024xf32>
    %exp3A_148 = math.exp %neg3A_147 : vector<1x1024xf32>
    %add3A_149 = arith.constant 1.000000e+00 : f32
    %add3A_150 = vector.broadcast %add3A_149 : f32 to vector<1x1024xf32>
    %add3A_151 = arith.addf %add3A_150, %exp3A_148 : vector<1x1024xf32>
    %div3A_152 = arith.constant 1.000000e+00 : f32
    %div3A_153 = vector.broadcast %div3A_152 : f32 to vector<1x1024xf32>
    %div3A_154 = arith.divf %div3A_153, %add3A_151 : vector<1x1024xf32>
    %mul3A_155 = arith.mulf %div3A_107, %div3A_154 : vector<1x1024xf32>
    %concatenate3A_156 = tpu.concatenate %div3A_107, %div3A_154, %mul3A_155 in 0 : vector<1x1024xf32>, vector<1x1024xf32>, vector<1x1024xf32> -> vector<3x1024xf32>
    %jit3A = arith.constant 1.000000e-15 : f32
    %jit3A_157 = arith.constant 1.000000e+00 : f32
    %max3A_158 = vector.broadcast %jit3A : f32 to vector<3x1024xf32>
    %max3A_159 = arith.maximumf %max3A_158, %concatenate3A_156 : vector<3x1024xf32>
    %min3A = vector.broadcast %jit3A_157 : f32 to vector<3x1024xf32>
    %min3A_160 = arith.minimumf %min3A, %max3A_159 : vector<3x1024xf32>
    %transpose3A = tpu.transpose %min3A_160, [1, 0] : vector<3x1024xf32> -> vector<1024x3xf32>
    %swap3A = arith.constant 0 : index
    %swap3A_161 = arith.constant 0 : index
    %swap3A_162 = vector.load %arg15[%swap3A, %swap3A_161] : memref<1024x3xf32, #tpu.memory_space<vmem>>, vector<1024x3xf32>
    tpu.vector_store %arg15[%swap3A, %swap3A_161], %transpose3A {strides = array<i32>} : memref<1024x3xf32, #tpu.memory_space<vmem>>, vector<1024x3xf32>,
    return
  }
  func.func @transform_0(%arg0: i32) -> (i32, i32, i32, i32) {
    %c0_i32 = arith.constant 0 : i32
    %c0_i32_0 = arith.constant 0 : i32
    %c0_i32_1 = arith.constant 0 : i32
    %c0_i32_2 = arith.constant 0 : i32
    return %c0_i32, %arg0, %c0_i32_0, %c0_i32_1 : i32, i32, i32, i32
  }
  func.func @transform_1(%arg0: i32) -> (i32, i32) {
    %c0_i32 = arith.constant 0 : i32
    %c0_i32_0 = arith.constant 0 : i32
    %c0_i32_1 = arith.constant 0 : i32
    return %c0_i32, %c0_i32_0 : i32, i32
  }
  func.func @transform_2(%arg0: i32) -> (i32, i32) {
    %c0_i32 = arith.constant 0 : i32
    %c0_i32_0 = arith.constant 0 : i32
    %c0_i32_1 = arith.constant 0 : i32
    return %c0_i32, %c0_i32_0 : i32, i32
  }
  func.func @transform_3(%arg0: i32) -> (i32, i32) {
    %c0_i32 = arith.constant 0 : i32
    %c0_i32_0 = arith.constant 0 : i32
    %c0_i32_1 = arith.constant 0 : i32
    return %c0_i32, %c0_i32_0 : i32, i32
  }
  func.func @transform_4(%arg0: i32) -> (i32, i32) {
    %c0_i32 = arith.constant 0 : i32
    %c0_i32_0 = arith.constant 0 : i32
    %c0_i32_1 = arith.constant 0 : i32
    return %c0_i32, %c0_i32_0 : i32, i32
  }
  func.func @transform_5(%arg0: i32) -> (i32, i32) {
    %c0_i32 = arith.constant 0 : i32
    %c0_i32_0 = arith.constant 0 : i32
    %c0_i32_1 = arith.constant 0 : i32
    return %c0_i32, %c0_i32_0 : i32, i32
  }
  func.func @transform_6(%arg0: i32) -> (i32, i32) {
    %c0_i32 = arith.constant 0 : i32
    %c0_i32_0 = arith.constant 0 : i32
    %c0_i32_1 = arith.constant 0 : i32
    return %c0_i32, %c0_i32_0 : i32, i32
  }
  func.func @transform_7(%arg0: i32) -> (i32, i32) {
    %c0_i32 = arith.constant 0 : i32
    %c0_i32_0 = arith.constant 0 : i32
    %c0_i32_1 = arith.constant 0 : i32
    return %c0_i32, %c0_i32_0 : i32, i32
  }
  func.func @transform_8(%arg0: i32) -> (i32, i32) {
    %c0_i32 = arith.constant 0 : i32
    %c0_i32_0 = arith.constant 0 : i32
    %c0_i32_1 = arith.constant 0 : i32
    return %c0_i32, %c0_i32_0 : i32, i32
  }
  func.func @transform_9(%arg0: i32) -> (i32, i32) {
    %c0_i32 = arith.constant 0 : i32
    %c0_i32_0 = arith.constant 0 : i32
    %c0_i32_1 = arith.constant 0 : i32
    return %c0_i32, %c0_i32_0 : i32, i32
  }
  func.func @transform_10(%arg0: i32) -> (i32, i32) {
    %c0_i32 = arith.constant 0 : i32
    %c0_i32_0 = arith.constant 0 : i32
    %c0_i32_1 = arith.constant 0 : i32
    return %c0_i32, %c0_i32_0 : i32, i32
  }
  func.func @transform_11(%arg0: i32) -> (i32, i32) {
    %c0_i32 = arith.constant 0 : i32
    %c0_i32_0 = arith.constant 0 : i32
    %c0_i32_1 = arith.constant 0 : i32
    return %c0_i32, %c0_i32_0 : i32, i32
  }
  func.func @transform_12(%arg0: i32) -> (i32, i32) {
    %c0_i32 = arith.constant 0 : i32
    %c0_i32_0 = arith.constant 0 : i32
    %c0_i32_1 = arith.constant 0 : i32
    return %c0_i32, %c0_i32_0 : i32, i32
  }
  func.func @transform_13(%arg0: i32) -> (i32, i32) {
    %c0_i32 = arith.constant 0 : i32
    %c0_i32_0 = arith.constant 0 : i32
    %c0_i32_1 = arith.constant 0 : i32
    return %c0_i32, %c0_i32_0 : i32, i32
  }
  func.func @transform_14(%arg0: i32) -> (i32, i32) {
    %c0_i32 = arith.constant 0 : i32
    %c0_i32_0 = arith.constant 0 : i32
    return %arg0, %c0_i32 : i32, i32
  }
}

</mosaic_0001>

<sc_bundles>
// kernel: kernel.4.cloned.1.call-start
scs
__scs_entry_jumppad:
0x0: {  	(pc) =	sbr.rel $0x88, $3  }
0x1: {  	(tag) =	ssettag $0x0;
	lr =	simm.s32 $0x1  }
0x2: {  	[smem:$0x3F93] =	sst lr;
	_ =	strace $0xD0000000  }
0x3: {  	_ = 	snop  }
0x4: {  	_ = 	snop  }
0x5: {  	_ = 	snop  }
0x6: {  	_ = 	snop  }
0x7: {  	_ = 	snop  }
__scs_overlays_trampoline_lowered:
0x8: {  	[smem:$0x3FA2] =	sst s0  }
0x9: {  	[smem:$0x3FA3] =	sst s1  }
0xa: {  	[smem:$0x3FA4] =	sst s2  }
0xb: {  	[smem:$0x3FA5] =	sst s3  }
0xc: {  	[smem:$0x3FA6] =	sst s4  }
0xd: {  	[smem:$0x3FA7] =	sst s5  }
0xe: {  	[smem:$0x3FA8] =	sst s6  }
0xf: {  	[smem:$0x3FA9] =	sst s7  }
0x10: {  	[smem:$0x3FAA] =	sst s8  }
0x11: {  	[smem:$0x3FAB] =	sst s9;
	s0 =	simm.s32 @!p0 $0x0  }
0x12: {  	s1 =	sld [smem:$0x3F91];
	s0 =	simm.s32 @p0 $0x1  }
0x13: {  	[smem:$0x3FAC] =	sst s0;
	s0 =	simm.s32 @!p1 $0x0  }
0x14: {  	s2 =	sld [smem:$0x3F90];
	s0 =	simm.s32 @p1 $0x1  }
0x15: {  	[smem:$0x3FAD] =	sst s0;
	s0 =	simm.s32 @!p2 $0x0  }
0x16: {  	s3 =	sld [smem:$0x3FDB];
	s0 =	simm.s32 @p2 $0x1  }
0x17: {  	s4 =	simm.s32 $0x1BF5;
	[smem:$0x3FAF] =	sst s0  }
0x18: {  	s0 =	sld [smem:$0x3F92];
	_ =	swait.ge [sflag:s4], $0x0  }
0x19: {  	s7 =	sld [smem:$0x3F93]  }
0x1a: {  	s8 =	sadd.s32 $0xFFFFE003, lr  }
0x1b: {  	s9 =	sadd.s32 $0xFFFFFEF7, lr;
	s5 =	simm.s32 $0xFFFFFFFF;
	p2 =	slt.u32 s8, $0xFFFFF086  }
0x1c: {  	p1 =	slt.u32 s9, $0xF7A;
	s5 =	simm.s32 @!p2 $0x0  }
0x1d: {  	s5 =	simm.s32 @p1 $0x1;
	p0 =	seq.s32 s7, s2  }
0x1e: {  	s7 =	smul.u32 @!p0 $0xF7A, s2;
	p2 =	seq.s32 @!p0 s5, $0x0  }
0x1f: {  	s9 =	smul.u32 $0xF7A, s1;
	s8 =	simm.s32 @!p0 $0x1BF5;
	p2 =	por !p2, p0  }
0x20: {  	[sflag:s8] =	ssyncset.s32 @!p0 $0xFFFFF086;
	s6 =	sadd.s32 @!p0 s3, s7;
	s7 =	simm.s32 @!p0 $0x108  }
0x21: {  	s3 =	sadd.s32 s3, s9;
	s6 =	sadd.s32 @!p0 $0x88, s6;
	s7 =	simm.s32 @p2 $0x1082  }
0x22: {  	[simem:s7], [sflag:s8] =	dma.local @!p0 [hbm:s6], $0xF7A  }
0x23: {  	s9 =	sor.u32 $0xD0000000, s2;
	s6 =	simm.s32 $0x108;
	_ =	swait.ge @!p0 [sflag:s8], $0x0  }
0x24: {  	s3 =	sadd.s32 $0x88, s3;
	s6 =	simm.s32 @!p1 $0x1082;
	[sflag:s4] =	ssyncset.s32 $0xFFFFF086  }
0x25: {  	[simem:s6], [sflag:s4] =	dma.local [hbm:s3], $0xF7A  }
0x26: {  	[smem:$0x3F93] =	sst s1;
	(tag) =	ssettag s2;
	_ =	strace s9  }
0x27: {  	s1 =	sld [smem:$0x3FA3]  }
0x28: {  	s2 =	sld [smem:$0x3FA4]  }
0x29: {  	s4 =	sld [smem:$0x3FA6]  }
0x2a: {  	p0 =	seq.s32 s5, $0x0;
	s5 =	sld [smem:$0x3FA7]  }
0x2b: {  	s6 =	sld [smem:$0x3FA8]  }
0x2c: {  	s7 =	sld [smem:$0x3FA9]  }
0x2d: {  	s3 =	simm.s32 $0x108;
	s8 =	sld [smem:$0x3FAA]  }
0x2e: {  	s3 =	simm.s32 @!p0 $0x1082;
	s9 =	sld [smem:$0x3FAB]  }
0x2f: {  	lr =	sadd.s32 s0, s3;
	s0 =	sld [smem:$0x3FA2]  }
0x30: {  	s3 =	sld [smem:$0x3FA5]  }
0x31: {  	[smem:$0x3FAE] =	sst s10  }
0x32: {  	s10 =	sld [smem:$0x3FAC];
	_ =	sdelay $0x3  }
0x33: {  	p0 =	seq.s32 s10, $0x1;
	s10 =	sld [smem:$0x3FAE];
	_ =	sdelay $0x3  }
0x34: {  	[smem:$0x3FAE] =	sst s10  }
0x35: {  	s10 =	sld [smem:$0x3FAD];
	_ =	sdelay $0x3  }
0x36: {  	p1 =	seq.s32 s10, $0x1;
	s10 =	sld [smem:$0x3FAE];
	_ =	sdelay $0x3  }
0x37: {  	[smem:$0x3FAE] =	sst s10  }
0x38: {  	s10 =	sld [smem:$0x3FAF]  }
0x39: {  	_ = 	snop;
	(pc) =	sbr.ind lr, $3  }
0x3a: {  	_ = 	snop  }
0x3b: {  	_ = 	snop  }
0x3c: {  	p2 =	seq.s32 s10, $0x1;
	s10 =	sld [smem:$0x3FAE]  }
0x3d: {  	_ =	shalt  }
0x3e: {  	_ =	shalt  }
0x3f: {  	_ =	shalt  }
0x40: {  	_ =	shalt  }
0x41: {  	_ =	shalt  }
0x42: {  	_ =	shalt  }
0x43: {  	_ =	shalt  }
0x44: {  	_ =	shalt  }
0x45: {  	_ =	shalt  }
0x46: {  	_ =	shalt  }
0x47: {  	_ =	shalt  }
0x48: {  	_ =	shalt  }
0x49: {  	_ =	shalt  }
0x4a: {  	_ =	shalt  }
0x4b: {  	_ =	shalt  }
0x4c: {  	_ =	shalt  }
0x4d: {  	_ =	shalt  }
0x4e: {  	_ =	shalt  }
0x4f: {  	_ =	shalt  }
0x50: {  	_ =	shalt  }
0x51: {  	_ =	shalt  }
0x52: {  	_ =	shalt  }
0x53: {  	_ =	shalt  }
0x54: {  	_ =	shalt  }
0x55: {  	_ =	shalt  }
0x56: {  	_ =	shalt  }
0x57: {  	_ =	shalt  }
0x58: {  	_ =	shalt  }
0x59: {  	_ =	shalt  }
0x5a: {  	_ =	shalt  }
0x5b: {  	_ =	shalt  }
0x5c: {  	_ =	shalt  }
0x5d: {  	_ =	shalt  }
0x5e: {  	_ =	shalt  }
0x5f: {  	_ =	shalt  }
0x60: {  	_ =	shalt  }
0x61: {  	_ =	shalt  }
0x62: {  	_ =	shalt  }
0x63: {  	_ =	shalt  }
0x64: {  	_ =	shalt  }
0x65: {  	_ =	shalt  }
0x66: {  	_ =	shalt  }
0x67: {  	_ =	shalt  }
0x68: {  	_ =	shalt  }
0x69: {  	_ =	shalt  }
0x6a: {  	_ =	shalt  }
0x6b: {  	_ =	shalt  }
0x6c: {  	_ =	shalt  }
0x6d: {  	_ =	shalt  }
0x6e: {  	_ =	shalt  }
0x6f: {  	_ =	shalt  }
0x70: {  	_ =	shalt  }
0x71: {  	_ =	shalt  }
0x72: {  	_ =	shalt  }
0x73: {  	_ =	shalt  }
0x74: {  	_ =	shalt  }
0x75: {  	_ =	shalt  }
0x76: {  	_ =	shalt  }
0x77: {  	_ =	shalt  }
0x78: {  	_ =	shalt  }
0x79: {  	_ =	shalt  }
0x7a: {  	_ =	shalt  }
0x7b: {  	_ =	shalt  }
0x7c: {  	_ =	shalt  }
0x7d: {  	_ =	shalt  }
0x7e: {  	_ =	shalt  }
0x7f: {  	_ =	shalt  }
0x80: {  	_ =	shalt  }
0x81: {  	_ =	shalt  }
0x82: {  	_ =	shalt  }
0x83: {  	_ =	shalt  }
0x84: {  	_ =	shalt  }
0x85: {  	_ =	shalt  }
0x86: {  	_ =	shalt  }
0x87: {  	_ =	shalt  }
.Lfunc_end0:
.L_simem_size_0:
called_computation_lowered:
.L_overlay_start_0:
0x88: {  	s2 =	sld [smem:$0x3FD9]  }
0x89: {  	s3 =	sld [smem:$0x3FFE];
	_ =	sdelay $0x1  }
0x8a: {  	s1 =	srdreg.scid  }
0x8b: {  	s0 =	sand.u32 $0x1, s1  }
0x8c: {  	s17 =	sshll.u32 s0, $0xA;
	s2 =	sadd.s32 s3, s2  }
0x8d: {  	s2 =	sadd.s32 s2, s17  }
0x8e: {  	[smem:$0x3FBA] =	sst s2  }
0x8f: {  	_ = 	snop  }
0x90: {  	s2 =	sld [smem:$0x3FC8];
	(tm) =	ssettm $0x1  }
0x91: {  	s18 =	sld [smem:$0x3FFB];
	_ =	sdelay $0x3  }
0x92: {  	_ =	strace s18  }
0x93: {  	s3 =	sld [smem:$0x3FFC];
	_ =	sdelay $0x3  }
0x94: {  	_ =	strace s3  }
0x95: {  	s3 =	sld [smem:$0x3FFD];
	_ =	sdelay $0x3  }
0x96: {  	_ =	strace s3  }
0x97: {  	_ =	strace $0x8FFFFFFF  }
0x98: {  	s19 =	sld [smem:$0x3FDB];
	_ =	sdelay $0x1  }
0x99: {  	s4 =	simm.s32 $_scs_section_size  }
0x9a: {  	s5 =	simm.s32 $_size__tile_overlayer_lowered;
	s6 =	simm.s32 $_tile_overlayer_lowered  }
0x9b: {  	s22 =	simm.s32 $0x1BFF;
	s21 =	sshll.u32 s6, $0x1;
	s3 =	sadd.s32 s4, s19  }
0x9c: {  	s7 =	simm.s32 $0x0;
	s20 =	sshll.u32 s5, $0x1;
	s5 =	sadd.s32 s21, s3  }
0x9d: {  	[timem:s7], [sflag:s22] =	dma.local [hbm:s5], s20  }
0x9e: {  	_ =	swait.ge [sflag:s22], s20  }
0x9f: {  	s4 =	ssub.s32 $0x0, s20;
	[sflag:s22] =	ssyncset.done $0x0  }
0xa0: {  	[sflag:s22] =	ssyncadd.s32 s4;
	_ =	sdelay $0x1  }
0xa1: {  	s23 =	simm.s32 $0x1B8B  }
0xa2: {  	_ =	swait.ge [sflag:s23], $0x1  }
0xa3: {  	[sflag:s23] =	ssyncset.done $0x0  }
0xa4: {  	s25 =	simm.s32 $0x1B8E;
	s24 =	sld [smem:$0x3FFE];
	[sflag:s23] =	ssyncadd.s32 $0xFFFFFFFF  }
0xa5: {  	s26 =	simm.s32 $execute0_lowered;
	[smem:$0x3FD2] =	sst s25  }
0xa6: {  	s5 =	sshll.u32 s26, $0x1;
	_ =	strace $0x80000046;
	[dreg:$0x1] =	wrdreg $0xFFFFFFFF  }
0xa7: {  	s28 =	simm.s32 $_size_execute0_lowered;
	s3 =	sadd.s32 s3, s5;
	[dreg:$0x0] =	wrdreg $0x0  }
0xa8: {  	s5 =	sshll.u32 s28, $0x1;
	[dreg:$0x2] =	wrdreg s3  }
0xa9: {  	[dreg:$0x3] =	wrdreg s5  }
0xaa: {  	[dreg:$0x4] =	wrdreg $0xC0  }
0xab: {  	_ =	task [dreg:s7], $0x5FFFF  }
0xac: {  	[dreg:$0x1] =	wrdreg $0xFFFFFFFF  }
0xad: {  	[dreg:$0x0] =	wrdreg $0x60  }
0xae: {  	[dreg:$0x2] =	wrdreg s2  }
0xaf: {  	[dreg:$0x3] =	wrdreg s24  }
0xb0: {  	[dreg:$0x4] =	wrdreg $0x9  }
0xb1: {  	_ =	task.clear_ibuf [dreg:s7], $0x5FFFF;
	_ =	strace $0x90000046  }
0xb2: {  	s29 =	simm.s32 $0x9;
	_ =	strace $0x80000048  }
0xb3: {  	_ =	swait.ge [sflag:s29], $0x1  }
0xb4: {  	[sflag:s29] =	ssyncadd.s32 $0xFFFFFFFF  }
0xb5: {  	_ =	strace $0x90000048  }
0xb6: {  	_ =	sfence  }
0xb7: {  	s30 =	sld [smem:$0x0];
	_ =	sdelay $0x2  }
0xb8: {  	s31 =	sshll.u32 s1, $0xD;
	s1 =	sshrl.u32 s1, $0x2  }
0xb9: {  	s3 =	sand.u32 $0x4000, s31;
	s1 =	sadd.s32 s1, s30  }
0xba: {  	s0 =	sor.u32 s3, s0;
	s1 =	sshll.u32 s1, $0x11  }
0xbb: {  	s0 =	sor.u32 s1, s0  }
0xbc: {  	s0 =	sadd.s32 $0x8F2B, s0  }
0xbd: {  	[sflag:s0] =	ssyncadd.remote.s32 $0x1  }
0xbe: {  	_ =	sfence.sel $0xFFFF  }
0xbf: {  	[dreg:$0x0] =	wrdreg $0xFFFFFFFF;
	(pc) =	sbr.abs _section_cstart, $3  }
0xc0: {  	[dreg:$0x1] =	wrdreg $0xFFFFFFFF  }
0xc1: {  	_ =	task.clear_ibuf [dreg:s7], $0x2FFFF;
	_ =	strace $0x9FFFFFFF  }
0xc2: {  	(tm) =	ssettm $0x7FFFFFFF  }
0xc3: {  	_ =	shalt  }
tec
execute0_lowered:
.L_overlay_start_1:
0x0: {  	(tag) =	ssettag $0x1  }
0x1: {  	s1 =	rddreg [dreg:$0x0]  }
0x2: {  	s8 =	rddreg [dreg:$0x1]  }
0x3: {  	s0 =	rddreg [dreg:$0x2];
	s3 =	simm.s32 $0x0;
	s4 =	srdreg.scid  }
0x4: {  	s2 =	stileid.u32;
	s10 =	simm.s32 $0x80;
	s11 =	simm.s32 $0x400  }
0x5: {  	s12 =	simm.s32 $0x3;
	s13 =	simm.s32 $0x18700;
	s14 =	simm.s32 $0x1A700  }
0x6: {  	s15 =	simm.s32 $0x1C700;
	s16 =	simm.s32 $0x1;
	s17 =	simm.s32 $0x2  }
0x7: {  	s18 =	simm.s32 $0x0;
	[smem:$0x7FF] =	sst s3;
	s5 =	sand.u32 $0x1, s4  }
0x8: {  	s7 =	sshll.u32 s2, $0x1;
	s4 =	sadd.s32 $0x1800, s8;
	s6 =	ssub.s32 $0x2, s5  }
0x9: {  	_ =	strace $0x80000047;
	s7 =	sor.u32 s5, s7;
	s9 =	sshrl.u32 s6, $0x1  }
0xa: {  	s5 =	sadd.s32 $0xE800, s8;
	s9 =	ssub.s32 s6, s9;
	s6 =	smul.u32 $0xD, s7  }
0xb: {  	s7 =	sadd.s32 $0x1C00, s8;
	s8 =	sadd.s32 $0x10800, s8;
	s9 =	smax.u32 s9, $0x1  }
.LBB2_1:
0xc: {  	s19 =	simm.s32 $0x0  }
.LBB2_2:
0xd: {  	s20 =	sadd.s32 s6, s19  }
0xe: {  	s21 =	sshrl.u32 s20, $0x4;
	s22 =	sand.u32 $0x8, s20  }
0xf: {  	s23 =	smul.u32 $0x187000, s21;
	s22 =	sshrl.u32 s22, $0x3  }
0x10: {  	s22 =	smul.u32 $0xC3800, s22  }
0x11: {  	s24 =	sshll.u32 s20, $0x7  }
0x12: {  	s30 =	sand.u32 $0x380, s24;
	s22 =	sadd.s32 s23, s22  }
0x13: {  	s22 =	sor.u32 s30, s22  }
0x14: {  	s22 =	sshrl.u32 s22, $0x3  }
0x15: {  	s22 =	sadd.s32 s1, s22  }
0x16: {  	[tilespmem:s3], [sflag:$0x3] =	stream.strided.gather [hbm4b:s22+s10], $0x18700, s11, s10, $0x38;
	[tilespmem:$0x1E700] =	vst v63  }
0x17: {  	_ =	swait.ge [sflag:s12], $0x18700  }
0x18: {  	s21 =	sshll.u32 s21, $0xB;
	[sflag:s12] =	ssyncset.done $0x0  }
0x19: {  	s31 =	sadd.s32 s4, s21;
	[sflag:s12] =	ssyncadd.s32 $0xFFFE7900  }
0x1a: {  	[tilespmem:s13], [sflag:$0x3] =	stream.linear.gather [hbm4b:s31+s3], $0x2000, $0x38;
	[tilespmem:$0x1E700] =	vst v63  }
0x1b: {  	_ =	swait.ge [sflag:s12], $0x2000  }
0x1c: {  	p0 =	seq.s32 s19, $0x0;
	[sflag:s12] =	ssyncset.done $0x0  }
0x1d: {  	s22 =	simm.s32 @!p0 $0x1;
	[sflag:s12] =	ssyncadd.s32 $0xFFFFE000  }
0x1e: {  	_ =	swait.ge @!p0 [sflag:s22], $0x2000  }
0x1f: {  	[sflag:s22] =	ssyncset.done @!p0 $0x0  }
0x20: {  	[sflag:s22] =	ssyncadd.s32 @!p0 $0xFFFFE000;
	s22 =	simm.s32 $0x0  }
0x21: {  	v0 =	vld [tilespmem:s22+$0x18700];
	_ =	sdelay $0x5  }
0x22: {  	v1 =	vld [tilespmem:s22+$0x18710];
	_ =	sdelay $0x1  }
0x23: {  	v0 =	vld.idx.msk [tilespmem:v0+s3+$0x0], $0xffff;
	_ =	sdelay $0x4  }
0x24: {  	[tilespmem:s22+$0x1A700] =	vst v0;
	v0 =	vld [tilespmem:s22+$0x18720]  }
0x25: {  	v1 =	vld.idx.msk [tilespmem:v1+s3+$0x0], $0xffff;
	_ =	sdelay $0x4  }
0x26: {  	[tilespmem:s22+$0x1A710] =	vst v1;
	v1 =	vld [tilespmem:s22+$0x18730];
	_ =	sdelay $0x1  }
0x27: {  	v0 =	vld.idx.msk [tilespmem:v0+s3+$0x0], $0xffff;
	_ =	sdelay $0x4  }
0x28: {  	[tilespmem:s22+$0x1A720] =	vst v0;
	v0 =	vld [tilespmem:s22+$0x18740]  }
0x29: {  	v1 =	vld.idx.msk [tilespmem:v1+s3+$0x0], $0xffff;
	_ =	sdelay $0x4  }
0x2a: {  	[tilespmem:s22+$0x1A730] =	vst v1;
	v1 =	vld [tilespmem:s22+$0x18750];
	_ =	sdelay $0x1  }
0x2b: {  	v0 =	vld.idx.msk [tilespmem:v0+s3+$0x0], $0xffff;
	_ =	sdelay $0x4  }
0x2c: {  	v2 =	vld [tilespmem:s22+$0x18760];
	[tilespmem:s22+$0x1A740] =	vst v0  }
0x2d: {  	v0 =	vld.idx.msk [tilespmem:v1+s3+$0x0], $0xffff;
	_ =	sdelay $0x4  }
0x2e: {  	[tilespmem:s22+$0x1A750] =	vst v0;
	v0 =	vld [tilespmem:s22+$0x18770];
	_ =	sdelay $0x1  }
0x2f: {  	v1 =	vld.idx.msk [tilespmem:v2+s3+$0x0], $0xffff;
	_ =	sdelay $0x3  }
0x30: {  	s24 =	simm.s32 $0x80;
	s23 =	simm.s32 $0x400  }
.LBB2_3:
0x31: {  	p1 =	sne.s32 s23, $0x7E00;
	v2 =	vld [tilespmem:s24+$0x18700];
	[tilespmem:s22+$0x1A760] =	vst v1  }
0x32: {  	v0 =	vld.idx.msk [tilespmem:v0+s3+$0x0], $0xffff;
	_ =	sdelay $0x5  }
0x33: {  	v1 =	vld [tilespmem:s24+$0x18710];
	[tilespmem:s22+$0x1A770] =	vst v0;
	s22 =	smov.u32 s24  }
0x34: {  	v0 =	vld.idx.msk [tilespmem:v2+s3+$0x0], $0xffff;
	_ =	sdelay $0x5  }
0x35: {  	[tilespmem:s22+$0x1A700] =	vst v0;
	v0 =	vld [tilespmem:s22+$0x18720]  }
0x36: {  	v1 =	vld.idx.msk [tilespmem:v1+s3+$0x0], $0xffff;
	_ =	sdelay $0x5  }
0x37: {  	[tilespmem:s22+$0x1A710] =	vst v1;
	v1 =	vld [tilespmem:s22+$0x18730]  }
0x38: {  	v0 =	vld.idx.msk [tilespmem:v0+s3+$0x0], $0xffff;
	_ =	sdelay $0x5  }
0x39: {  	[tilespmem:s22+$0x1A720] =	vst v0;
	v0 =	vld [tilespmem:s22+$0x18740]  }
0x3a: {  	v1 =	vld.idx.msk [tilespmem:v1+s3+$0x0], $0xffff;
	_ =	sdelay $0x5  }
0x3b: {  	[tilespmem:s22+$0x1A730] =	vst v1;
	v1 =	vld [tilespmem:s22+$0x18750]  }
0x3c: {  	v0 =	vld.idx.msk [tilespmem:v0+s3+$0x0], $0xffff;
	_ =	sdelay $0x5  }
0x3d: {  	[tilespmem:s22+$0x1A740] =	vst v0;
	v2 =	vld [tilespmem:s22+$0x18760]  }
0x3e: {  	v0 =	vld.idx.msk [tilespmem:v1+s3+$0x0], $0xffff;
	_ =	sdelay $0x5  }
0x3f: {  	[tilespmem:s22+$0x1A750] =	vst v0;
	v0 =	vld [tilespmem:s22+$0x18770]  }
0x40: {  	v1 =	vld.idx.msk [tilespmem:v2+s3+$0x0], $0xffff  }
.Ltmp0:
0x41: {  	(pc) =	sbr.rel @p1 .LBB2_3-.Ltmp0, $2  }
0x42: {  	_ =	sdelay $0x2  }
0x43: {  	s24 =	sshra.s32 s23, $0x2;
	s23 =	sadd.s32 $0x200, s23  }
0x44: {  	_ =	sdelay $0x1  }
0x45: {  	v2 =	vld [tilespmem:s24+$0x18700]  }
0x46: {  	[tilespmem:s22+$0x1A760] =	vst v1  }
0x47: {  	v0 =	vld.idx.msk [tilespmem:v0+s3+$0x0], $0xffff;
	_ =	sdelay $0x3  }
0x48: {  	v1 =	vld [tilespmem:s24+$0x18710]  }
0x49: {  	[tilespmem:s22+$0x1A770] =	vst v0  }
0x4a: {  	v0 =	vld.idx.msk [tilespmem:v2+s3+$0x0], $0xffff;
	_ =	sdelay $0x4  }
0x4b: {  	[tilespmem:s24+$0x1A700] =	vst v0;
	v0 =	vld [tilespmem:s24+$0x18720]  }
0x4c: {  	v1 =	vld.idx.msk [tilespmem:v1+s3+$0x0], $0xffff;
	_ =	sdelay $0x4  }
0x4d: {  	[tilespmem:s24+$0x1A710] =	vst v1;
	v1 =	vld [tilespmem:s24+$0x18730];
	_ =	sdelay $0x1  }
0x4e: {  	v0 =	vld.idx.msk [tilespmem:v0+s3+$0x0], $0xffff;
	_ =	sdelay $0x4  }
0x4f: {  	[tilespmem:s24+$0x1A720] =	vst v0;
	v0 =	vld [tilespmem:s24+$0x18740]  }
0x50: {  	v1 =	vld.idx.msk [tilespmem:v1+s3+$0x0], $0xffff;
	_ =	sdelay $0x4  }
0x51: {  	[tilespmem:s24+$0x1A730] =	vst v1;
	v1 =	vld [tilespmem:s24+$0x18750];
	_ =	sdelay $0x1  }
0x52: {  	v0 =	vld.idx.msk [tilespmem:v0+s3+$0x0], $0xffff;
	_ =	sdelay $0x4  }
0x53: {  	[tilespmem:s24+$0x1A740] =	vst v0;
	v0 =	vld [tilespmem:s24+$0x18760]  }
0x54: {  	v1 =	vld.idx.msk [tilespmem:v1+s3+$0x0], $0xffff;
	_ =	sdelay $0x4  }
0x55: {  	[tilespmem:s24+$0x1A750] =	vst v1;
	v1 =	vld [tilespmem:s24+$0x18770];
	_ =	sdelay $0x1  }
0x56: {  	v0 =	vld.idx.msk [tilespmem:v0+s3+$0x0], $0xffff;
	_ =	sdelay $0x4  }
0x57: {  	[tilespmem:s24+$0x1A760] =	vst v0  }
0x58: {  	v0 =	vld.idx.msk [tilespmem:v1+s3+$0x0], $0xffff;
	_ =	sdelay $0x1  }
0x59: {  	s30 =	sshll.u32 s20, $0xB;
	s31 =	sshll.u32 s20, $0x4  }
0x5a: {  	s20 =	sand.u32 $0x70, s31;
	s22 =	sand.u32 $0xFFFC000, s30  }
0x5b: {  	s20 =	sor.u32 s20, s22  }
0x5c: {  	s22 =	sadd.s32 s5, s20;
	[tilespmem:s24+$0x1A770] =	vst v0  }
0x5d: {  	[hbm4b:s22+s10] =	stream.strided.scatter [tilespmem:s14], [sflag:$0x1], $0x2000, s11, s10, $0x38;
	[tilespmem:$0x1E700] =	vst v63  }
0x5e: {  	s21 =	sadd.s32 s21, s7  }
0x5f: {  	[tilespmem:s13], [sflag:$0x3] =	stream.linear.gather [hbm4b:s21+s3], $0x2000, $0x38;
	[tilespmem:$0x1E700] =	vst v63  }
0x60: {  	_ =	swait.ge [sflag:s12], $0x2000  }
0x61: {  	[sflag:s12] =	ssyncset.done $0x0  }
0x62: {  	s21 =	simm.s32 @!p0 $0x2;
	[sflag:s12] =	ssyncadd.s32 $0xFFFFE000  }
0x63: {  	_ =	swait.ge @!p0 [sflag:s21], $0x2000  }
0x64: {  	[sflag:s21] =	ssyncset.done @!p0 $0x0  }
0x65: {  	[sflag:s21] =	ssyncadd.s32 @!p0 $0xFFFFE000;
	s21 =	simm.s32 $0x0  }
0x66: {  	v0 =	vld [tilespmem:s21+$0x18700];
	_ =	sdelay $0x5  }
0x67: {  	v1 =	vld [tilespmem:s21+$0x18710];
	_ =	sdelay $0x1  }
0x68: {  	v0 =	vld.idx.msk [tilespmem:v0+s3+$0x0], $0xffff;
	_ =	sdelay $0x4  }
0x69: {  	[tilespmem:s21+$0x1C700] =	vst v0;
	v0 =	vld [tilespmem:s21+$0x18720]  }
0x6a: {  	v1 =	vld.idx.msk [tilespmem:v1+s3+$0x0], $0xffff;
	_ =	sdelay $0x4  }
0x6b: {  	[tilespmem:s21+$0x1C710] =	vst v1;
	v1 =	vld [tilespmem:s21+$0x18730];
	_ =	sdelay $0x1  }
0x6c: {  	v0 =	vld.idx.msk [tilespmem:v0+s3+$0x0], $0xffff;
	_ =	sdelay $0x4  }
0x6d: {  	[tilespmem:s21+$0x1C720] =	vst v0;
	v0 =	vld [tilespmem:s21+$0x18740]  }
0x6e: {  	v1 =	vld.idx.msk [tilespmem:v1+s3+$0x0], $0xffff;
	_ =	sdelay $0x4  }
0x6f: {  	[tilespmem:s21+$0x1C730] =	vst v1;
	v1 =	vld [tilespmem:s21+$0x18750];
	_ =	sdelay $0x1  }
0x70: {  	v0 =	vld.idx.msk [tilespmem:v0+s3+$0x0], $0xffff;
	_ =	sdelay $0x4  }
0x71: {  	v2 =	vld [tilespmem:s21+$0x18760];
	[tilespmem:s21+$0x1C740] =	vst v0  }
0x72: {  	v0 =	vld.idx.msk [tilespmem:v1+s3+$0x0], $0xffff;
	_ =	sdelay $0x4  }
0x73: {  	[tilespmem:s21+$0x1C750] =	vst v0;
	v0 =	vld [tilespmem:s21+$0x18770];
	_ =	sdelay $0x1  }
0x74: {  	v1 =	vld.idx.msk [tilespmem:v2+s3+$0x0], $0xffff;
	_ =	sdelay $0x3  }
0x75: {  	s23 =	simm.s32 $0x80;
	s22 =	simm.s32 $0x400  }
.LBB2_5:
0x76: {  	p0 =	sne.s32 s22, $0x7E00;
	v2 =	vld [tilespmem:s23+$0x18700];
	[tilespmem:s21+$0x1C760] =	vst v1  }
0x77: {  	v0 =	vld.idx.msk [tilespmem:v0+s3+$0x0], $0xffff;
	_ =	sdelay $0x5  }
0x78: {  	v1 =	vld [tilespmem:s23+$0x18710];
	[tilespmem:s21+$0x1C770] =	vst v0;
	s21 =	smov.u32 s23  }
0x79: {  	v0 =	vld.idx.msk [tilespmem:v2+s3+$0x0], $0xffff;
	_ =	sdelay $0x5  }
0x7a: {  	[tilespmem:s21+$0x1C700] =	vst v0;
	v0 =	vld [tilespmem:s21+$0x18720]  }
0x7b: {  	v1 =	vld.idx.msk [tilespmem:v1+s3+$0x0], $0xffff;
	_ =	sdelay $0x5  }
0x7c: {  	[tilespmem:s21+$0x1C710] =	vst v1;
	v1 =	vld [tilespmem:s21+$0x18730]  }
0x7d: {  	v0 =	vld.idx.msk [tilespmem:v0+s3+$0x0], $0xffff;
	_ =	sdelay $0x5  }
0x7e: {  	[tilespmem:s21+$0x1C720] =	vst v0;
	v0 =	vld [tilespmem:s21+$0x18740]  }
0x7f: {  	v1 =	vld.idx.msk [tilespmem:v1+s3+$0x0], $0xffff;
	_ =	sdelay $0x5  }
0x80: {  	[tilespmem:s21+$0x1C730] =	vst v1;
	v1 =	vld [tilespmem:s21+$0x18750]  }
0x81: {  	v0 =	vld.idx.msk [tilespmem:v0+s3+$0x0], $0xffff;
	_ =	sdelay $0x5  }
0x82: {  	[tilespmem:s21+$0x1C740] =	vst v0;
	v2 =	vld [tilespmem:s21+$0x18760]  }
0x83: {  	v0 =	vld.idx.msk [tilespmem:v1+s3+$0x0], $0xffff;
	_ =	sdelay $0x5  }
0x84: {  	[tilespmem:s21+$0x1C750] =	vst v0;
	v0 =	vld [tilespmem:s21+$0x18770]  }
0x85: {  	v1 =	vld.idx.msk [tilespmem:v2+s3+$0x0], $0xffff  }
.Ltmp1:
0x86: {  	(pc) =	sbr.rel @p0 .LBB2_5-.Ltmp1, $2  }
0x87: {  	_ =	sdelay $0x2  }
0x88: {  	s23 =	sshra.s32 s22, $0x2;
	s22 =	sadd.s32 $0x200, s22  }
0x89: {  	_ =	sdelay $0x1  }
0x8a: {  	v2 =	vld [tilespmem:s23+$0x18700]  }
0x8b: {  	[tilespmem:s21+$0x1C760] =	vst v1  }
0x8c: {  	v0 =	vld.idx.msk [tilespmem:v0+s3+$0x0], $0xffff;
	_ =	sdelay $0x3  }
0x8d: {  	v1 =	vld [tilespmem:s23+$0x18710]  }
0x8e: {  	[tilespmem:s21+$0x1C770] =	vst v0  }
0x8f: {  	v0 =	vld.idx.msk [tilespmem:v2+s3+$0x0], $0xffff;
	_ =	sdelay $0x3  }
0x90: {  	v58 =	vld [tilespmem:s23+$0x18720]  }
0x91: {  	[tilespmem:s23+$0x1C700] =	vst v0  }
0x92: {  	v1 =	vld.idx.msk [tilespmem:v1+s3+$0x0], $0xffff;
	_ =	sdelay $0x3  }
0x93: {  	v59 =	vld [tilespmem:s23+$0x18730]  }
0x94: {  	[tilespmem:s23+$0x1C710] =	vst v1  }
0x95: {  	v0 =	vld.idx.msk [tilespmem:v58+s3+$0x0], $0xffff;
	_ =	sdelay $0x3  }
0x96: {  	v60 =	vld [tilespmem:s23+$0x18740]  }
0x97: {  	[tilespmem:s23+$0x1C720] =	vst v0  }
0x98: {  	v1 =	vld.idx.msk [tilespmem:v59+s3+$0x0], $0xffff;
	_ =	sdelay $0x3  }
0x99: {  	v61 =	vld [tilespmem:s23+$0x18750]  }
0x9a: {  	[tilespmem:s23+$0x1C730] =	vst v1  }
0x9b: {  	v0 =	vld.idx.msk [tilespmem:v60+s3+$0x0], $0xffff;
	_ =	sdelay $0x3  }
0x9c: {  	v62 =	vld [tilespmem:s23+$0x18760]  }
0x9d: {  	[tilespmem:s23+$0x1C740] =	vst v0  }
0x9e: {  	v1 =	vld.idx.msk [tilespmem:v61+s3+$0x0], $0xffff;
	_ =	sdelay $0x3  }
0x9f: {  	v63 =	vld [tilespmem:s23+$0x18770]  }
0xa0: {  	[tilespmem:s23+$0x1C750] =	vst v1  }
0xa1: {  	v0 =	vld.idx.msk [tilespmem:v62+s3+$0x0], $0xffff;
	_ =	sdelay $0x4  }
0xa2: {  	[tilespmem:s23+$0x1C760] =	vst v0  }
0xa3: {  	s19 =	sadd.s32 $0x1, s19;
	v0 =	vld.idx.msk [tilespmem:v63+s3+$0x0], $0xffff  }
0xa4: {  	p0 =	sne.s32 s19, $0xD  }
.Ltmp2:
0xa5: {  	_ = 	snop;
	(pc) =	sbr.rel @p0 .LBB2_2-.Ltmp2, $3  }
0xa6: {  	_ =	sdelay $0x1  }
0xa7: {  	s20 =	sadd.s32 s20, s8;
	[tilespmem:s23+$0x1C770] =	vst v0  }
0xa8: {  	[hbm4b:s20+s10] =	stream.strided.scatter [tilespmem:s15], [sflag:$0x2], $0x2000, s11, s10, $0x38;
	[tilespmem:$0x1E700] =	vst v63  }
0xa9: {  	s18 =	sadd.s32 $0x1, s18  }
0xaa: {  	_ =	swait.ge [sflag:s16], $0x2000;
	p0 =	sne.s32 s18, s9  }
.Ltmp3:
0xab: {  	[sflag:s16] =	ssyncset.done $0x0;
	(pc) =	sbr.rel @p0 .LBB2_1-.Ltmp3, $4  }
0xac: {  	[sflag:s16] =	ssyncadd.s32 $0xFFFFE000  }
0xad: {  	_ =	swait.ge [sflag:s17], $0x2000  }
0xae: {  	[sflag:s17] =	ssyncset.done $0x0  }
0xaf: {  	[sflag:s17] =	ssyncadd.s32 $0xFFFFE000  }
0xb0: {  	_ =	sfence.sel $0x180000  }
0xb1: {  	[bflag:$0x0] =	sbarrier.arrive $0xFFFF  }
0xb2: {  	p0 =	sne.s32 s2, $0x0;
	_ =	strace $0x90000047  }
0xb3: {  	s0 =	sadd.s32 @!p0 $0x100000, s0;
	[bflag:$0x2] =	sbarrier.arrive $0xFFFF  }
0xb4: {  	[sflag:s0] =	ssyncadd.tile.s32 @!p0 $0x1;
	_ =	shalt  }
.Lfunc_end2:
_tile_overlayer_lowered:
.L_overlay_start_2:
0xb5: {  	(tag) =	ssettag $0x2  }
0xb6: {  	s0 =	rddreg [dreg:$0x0];
	s2 =	stileid.u32  }
0xb7: {  	s1 =	rddreg [dreg:$0x1];
	p0 =	sne.s32 s2, $0x0  }
0xb8: {  	s3 =	rddreg [dreg:$0x2];
	[bflag:$0x3] =	sbarrier.arrive $0xFFFF;
	s2 =	simm.s32 @!p0 $0x1C03  }
0xb9: {  	[timem:s3], [sflag:s2] =	dma.local @!p0 [hbm:s0], s1  }
0xba: {  	s0 =	simm.s32 @!p0 $0x3  }
0xbb: {  	_ =	swait.ge @!p0 [sflag:s0], s1  }
0xbc: {  	s1 =	ssub.s32 @!p0 $0x0, s1;
	[sflag:s0] =	ssyncset.done @!p0 $0x0  }
0xbd: {  	[sflag:s0] =	ssyncadd.s32 @!p0 s1  }
0xbe: {  	[bflag:$0x3] =	sbarrier.arrive $0xFFFF  }
0xbf: {  	_ =	shalt  }

</sc_bundles>
